<compile_context>
chip_gen: v7x
topology: tpu7x:2x2x1
jax: 0.10.2.dev20260603
libtpu: 0.0.44.dev20260713+nightly
codegen_flags: <defaults>
</compile_context>

<pallas_src>
import functools

import jax
import jax.numpy as jnp
from jax import lax
from jax.experimental import pallas as pl
from jax.experimental.pallas import tpu as pltpu
from jax.experimental.pallas import tpu_sc as plsc

N_LEVELS = 10
F = 16
N = 100000
OUT_D = F * N_LEVELS

C = 128
NFULL = N // C
NUNITS = NFULL + 1
TAIL_BASE = N - C
NW = 32
LANES = 16


CW = 4 * N_LEVELS * C
NP_FULL = NFULL * C


def _reblock_body(x_ref, o_ref):
    x = x_ref[...].reshape(4, NFULL, C)
    for j in range(4):
        o_ref[:, j * C:(j + 1) * C] = x[j]


def _reblock(arr):
    return pl.pallas_call(
        _reblock_body,
        grid=(N_LEVELS,),
        in_specs=[pl.BlockSpec((1, 4, NP_FULL), lambda l: (l, 0, 0))],
        out_specs=pl.BlockSpec((NFULL, 4 * C), lambda l: (0, l)),
        out_shape=jax.ShapeDtypeStruct((NFULL, CW), arr.dtype),
    )(arr[:, :, :NP_FULL])


NBUF = 4


def _heal_body(pix_hbm, w_hbm, tpix_hbm, tw_hbm, table_hbm, out_hbm,
               pix_v, w_v, idx_v, rows_v, out_v,
               sem_g0, sem_g1, sem_g2, sem_g3, sem_o):
    wid = lax.axis_index("s") * 2 + lax.axis_index("c")
    niter = (NUNITS - wid + NW - 1) // NW
    sems = [sem_g0, sem_g1, sem_g2, sem_g3]

    iota = lax.iota(jnp.int32, LANES)
    col_base = iota * N_LEVELS

    def compute_level(l, rbuf):
        col = col_base + l
        wbase = l * 4 * C

        def group(g, _):
            b16 = g * LANES
            wv = [w_v[pl.ds(wbase + j * C + b16, LANES)] for j in range(4)]
            for p in range(LANES):
                n = b16 + p
                acc = wv[0][p] * rbuf[n]
                acc = acc + wv[1][p] * rbuf[C + n]
                acc = acc + wv[2][p] * rbuf[2 * C + n]
                acc = acc + wv[3][p] * rbuf[3 * C + n]
                row_ids = jnp.full((LANES,), n, dtype=jnp.int32)
                plsc.store_scatter(out_v, [row_ids, col], acc)
            return 0
        lax.fori_loop(0, C // LANES, group, 0)

    def unit_body(it, _):
        u = wid + it * NW
        is_tail = u >= NFULL
        base = jnp.where(is_tail, TAIL_BASE, u * C)

        @pl.when(jnp.logical_not(is_tail))
        def _():
            pltpu.sync_copy(pix_hbm.at[u], pix_v)
            pltpu.sync_copy(w_hbm.at[u], w_v)

        @pl.when(is_tail)
        def _():
            pltpu.sync_copy(tpix_hbm, pix_v)
            pltpu.sync_copy(tw_hbm, w_v)

        def idx_level(l, _):
            start = ((jnp.int32(1) << (2 * l)) - 1) * 4
            pbase = l * 4 * C

            def ib(i, _):
                for j in range(4):
                    v = pix_v[pl.ds(pbase + j * C + i * LANES, LANES)]
                    idx_v[l, pl.ds(j * C + i * LANES, LANES)] = v + start
                return 0
            lax.fori_loop(0, C // LANES, ib, 0)
            return 0
        lax.fori_loop(0, N_LEVELS, idx_level, 0)

        @pl.when(it > 0)
        def _():
            pltpu.make_async_copy(out_v, out_hbm.at[pl.ds(0, C)],
                                  sem_o).wait()


        pltpu.async_copy(out_v, out_hbm.at[pl.ds(base, C)], sem_o)
        return 0

    lax.fori_loop(0, niter, unit_body, 0)
    pltpu.make_async_copy(out_v, out_hbm.at[pl.ds(0, C)], sem_o).wait()


def _heal_sc(params, neigh_pix, neigh_weight):
    mesh = plsc.VectorSubcoreMesh(core_axis_name="c", subcore_axis_name="s")
    kfn = pl.kernel(
        _heal_body,
        mesh=mesh,
        out_type=jax.ShapeDtypeStruct((N, OUT_D), jnp.float32),
        scratch_types=[
            pltpu.VMEM((CW,), jnp.int32),
            pltpu.VMEM((CW,), jnp.float32),
            pltpu.VMEM((N_LEVELS, 4 * C), jnp.int32),
            pltpu.VMEM((NBUF, 4 * C, F), jnp.float32),
            pltpu.VMEM((C, OUT_D), jnp.float32),
            pltpu.SemaphoreType.DMA,
            pltpu.SemaphoreType.DMA,
            pltpu.SemaphoreType.DMA,
            pltpu.SemaphoreType.DMA,
            pltpu.SemaphoreType.DMA,
        ],
        compiler_params=pltpu.CompilerParams(
            use_tc_tiling_on_sc=False, needs_layout_passes=False),
    )
    pix_blk = _reblock(neigh_pix)
    w_blk = _reblock(neigh_weight)
    tail_pix = neigh_pix[:, :, TAIL_BASE:].reshape(-1)
    tail_w = neigh_weight[:, :, TAIL_BASE:].reshape(-1)
    return kfn(pix_blk, w_blk, tail_pix, tail_w, params)


def kernel(x, params, neigh_pix, neigh_weight):
    del x
    return _heal_sc(params, neigh_pix, neigh_weight)

# --- scband reference (transcript-rebuilt; emitter-appended) ---
"""Pipeline reference for scband-heal-encoding-33938831573234 (READ-ONLY COPY).

The authoritative reference and input builder live on the scoring server;
editing this copy changes nothing except your own understanding.
"""

import jax, jax.numpy as jnp
import numpy as np

N_LEVELS = 10
F = 16
N = 100000

def _npix(i):
    return 12 * (4 ** i)

def setup_inputs(seed: int = 0) -> dict:
    key = jax.random.key(seed)
    k1, k2, k3, k4 = jax.random.split(key, 4)
    x = jax.random.uniform(k1, (N, 2), dtype=jnp.float32)
    total_rows = 4 * (4 ** N_LEVELS - 1)
    # per-level init ~ N(init_a, init_b); approximate with a single normal init (same math in forward)
    params = jax.random.normal(k2, (total_rows, F), dtype=jnp.float32) * 0.1 + (-0.1)
    # healpy.get_interp_weights returns (neigh_pix[4,N], neigh_weight[4,N]) per level.
    # healpy is unavailable here, so synthesize in-range indices and normalized weights.
    pix_levels = []
    kk = k3
    for i in range(N_LEVELS):
        kk, sub = jax.random.split(kk)
        pix_levels.append(jax.random.randint(sub, (4, N), 0, _npix(i), dtype=jnp.int32))
    neigh_pix = jnp.stack(pix_levels, axis=0)  # [L, 4, N]
    w = jax.random.uniform(k4, (N_LEVELS, 4, N), dtype=jnp.float32) + 1e-3
    neigh_weight = w / jnp.sum(w, axis=1, keepdims=True)  # bilinear weights sum to 1
    return {"x": x, "params": params, "neigh_pix": neigh_pix, "neigh_weight": neigh_weight}

def reference(x, params, neigh_pix, neigh_weight):
    all_level_reps = []
    for i in range(N_LEVELS):
        start = 4 * (4 ** i - 1)  # == get_all_level_npix(i-1), 0 when i==0
        idx = start + neigh_pix[i]              # (4, N) indices into full table
        neigh_reps = jnp.take(params, idx, axis=0)  # (4, N, F) gather
        neigh_reps = neigh_reps * neigh_weight[i][..., None]
        all_level_reps.append(neigh_reps.sum(axis=0))  # (N, F)
    out = jnp.stack(all_level_reps, axis=-1)  # (N, F, L)
    out = out.reshape(x.shape[0], -1)
    return out.astype(jnp.float32)

if __name__ == "__main__":
    import jax
    _d = setup_inputs()
    print(jax.jit(kernel)(*tuple(_d.values())))

</pallas_src>

<mosaic_0001>
#map = affine_map<(d0, d1) -> (0, 0)>
#map1 = affine_map<(d0, d1) -> (0)>
module attributes {stable_mosaic.version = 14 : i64} {
  func.func @_heal_body(%arg0: i32, %arg1: i32, %arg2: memref<781x5120xi32, #tpu.memory_space<hbm>>, %arg3: memref<781x5120xf32, #tpu.memory_space<hbm>>, %arg4: memref<5120xi32, #tpu.memory_space<hbm>>, %arg5: memref<5120xf32, #tpu.memory_space<hbm>>, %arg6: memref<4194300x16xf32, #tpu.memory_space<hbm>>, %arg7: memref<100000x160xf32, #tpu.memory_space<hbm>>, %arg8: memref<5120xi32, #tpu.memory_space<vmem>>, %arg9: memref<5120xf32, #tpu.memory_space<vmem>>, %arg10: memref<10x512xi32, #tpu.memory_space<vmem>>, %arg11: memref<4x512x16xf32, #tpu.memory_space<vmem>>, %arg12: memref<128x160xf32, #tpu.memory_space<vmem>>, %arg13: memref<!tpu.dma_semaphore, #tpu.memory_space<semaphore_mem>>, %arg14: memref<!tpu.dma_semaphore, #tpu.memory_space<semaphore_mem>>, %arg15: memref<!tpu.dma_semaphore, #tpu.memory_space<semaphore_mem>>, %arg16: memref<!tpu.dma_semaphore, #tpu.memory_space<semaphore_mem>>, %arg17: memref<!tpu.dma_semaphore, #tpu.memory_space<semaphore_mem>>) attributes {dimension_semantics = [#tpu.dimension_semantics<core_parallel>, #tpu.dimension_semantics<subcore_parallel>], iteration_bounds = array<i64: 2, 16>, scalar_prefetch = 0 : i64, scratch_operands = 10 : i64, tpu.core_type = #tpu.core_type<sc_vector_subcore>, window_params = [{transform_indices = #map}, {transform_indices = #map}, {transform_indices = #map1}, {transform_indices = #map1}, {transform_indices = #map}, {transform_indices = #map}]} {
    %mul3A = arith.constant 2 : i32
    %mul3A_0 = arith.muli %arg1, %mul3A : i32
    %add3A = arith.addi %mul3A_0, %arg0 : i32
    %sub3A = arith.constant 782 : i32
    %sub3A_1 = arith.subi %sub3A, %add3A : i32
    %add3A_2 = arith.constant 32 : i32
    %add3A_3 = arith.addi %sub3A_1, %add3A_2 : i32
    %sub3A_4 = arith.constant 1 : i32
    %sub3A_5 = arith.subi %add3A_3, %sub3A_4 : i32
    %jit3A = arith.constant 32 : i32
    %div3A = arith.divsi %sub3A_5, %jit3A : i32
    %sign3A = arith.constant 0 : i32
    %sign3A_6 = arith.cmpi sgt, %sub3A_5, %sign3A : i32
    %sign3A_7 = arith.extui %sign3A_6 : i1 to i32
    %sign3A_8 = arith.constant 0 : i32
    %sign3A_9 = arith.cmpi slt, %sub3A_5, %sign3A_8 : i32
    %sign3A_10 = arith.extui %sign3A_9 : i1 to i32
    %sign3A_11 = arith.subi %sign3A_7, %sign3A_10 : i32
    %sign3A_12 = arith.constant 0 : i32
    %sign3A_13 = arith.cmpi sgt, %jit3A, %sign3A_12 : i32
    %sign3A_14 = arith.extui %sign3A_13 : i1 to i32
    %sign3A_15 = arith.constant 0 : i32
    %sign3A_16 = arith.cmpi slt, %jit3A, %sign3A_15 : i32
    %sign3A_17 = arith.extui %sign3A_16 : i1 to i32
    %sign3A_18 = arith.subi %sign3A_14, %sign3A_17 : i32
    %ne3A = arith.cmpi ne, %sign3A_11, %sign3A_18 : i32
    %rem3A = arith.remsi %sub3A_5, %jit3A : i32
    %ne3A_19 = arith.constant 0 : i32
    %ne3A_20 = arith.cmpi ne, %rem3A, %ne3A_19 : i32
    %and3A = arith.andi %ne3A, %ne3A_20 : i1
    %sub3A_21 = arith.constant 1 : i32
    %sub3A_22 = arith.subi %div3A, %sub3A_21 : i32
    %select_n3A = arith.select %and3A, %sub3A_22, %div3A : i32
    %iota3A = tpu.iota {dimensions = array<i32: 0>} : vector<16xi32>
    %mul3A_23 = arith.constant 10 : i32
    %mul3A_24 = vector.broadcast %mul3A_23 : i32 to vector<16xi32>
    %mul3A_25 = arith.muli %iota3A, %mul3A_24 : vector<16xi32>
    %while3A = arith.constant 0 : i32
    %while3A_26 = arith.constant 0 : i32
    %while3A_27 = arith.subi %select_n3A, %while3A : i32
    %while3A_28 = arith.addi %while3A, %while3A_27 : i32
    %while3A_29 = arith.constant 1 : i32
    %while3A_30 = arith.divsi %while3A_27, %while3A_29 : i32
    %while3A_31 = arith.muli %while3A_30, %while3A_29 : i32
    %while3A_32 = arith.addi %while3A, %while3A_31 : i32
    %while3A_33 = arith.constant 1 : i32
    %while3A_34 = scf.for %while3A_42 = %while3A to %while3A_32 step %while3A_33 iter_args(%while3A_43 = %while3A_26) -> (i32)  : i32 {
      %mul3A_44 = arith.constant 32 : i32
      %mul3A_45 = arith.muli %while3A_42, %mul3A_44 : i32
      %add3A_46 = arith.addi %add3A, %mul3A_45 : i32
      %ge3A = arith.constant 781 : i32
      %ge3A_47 = arith.cmpi sge, %add3A_46, %ge3A : i32
      %mul3A_48 = arith.constant 128 : i32
      %mul3A_49 = arith.muli %add3A_46, %mul3A_48 : i32
      %jit3A_50 = arith.constant 99872 : i32
      %select_n3A_51 = arith.select %ge3A_47, %jit3A_50, %mul3A_49 : i32
      %not3A = arith.constant true
      %not3A_52 = arith.xori %ge3A_47, %not3A : i1
      %convert_element_type3A = arith.extui %not3A_52 : i1 to i32
      %cond3A = arith.constant 0 : i32
      %cond3A_53 = arith.cmpi ne, %convert_element_type3A, %cond3A : i32
      scf.if %cond3A_53 {
        "tpu.region"() ({
          %run_scoped3A = tpu.sem_alloc : memref<!tpu.dma_semaphore, #tpu.memory_space<semaphore_mem>>
          %dma_start3A_71 = arith.constant 0 : i32
          %dma_start3A_72 = tpu.memref_slice %arg2[%add3A_46, %dma_start3A_71] : memref<781x5120xi32, #tpu.memory_space<hbm>> -> memref<1x5120xi32, #tpu.memory_space<hbm>>
          %dma_start3A_73 = tpu.memref_squeeze %dma_start3A_72 : memref<1x5120xi32, #tpu.memory_space<hbm>> -> memref<5120xi32, #tpu.memory_space<hbm>>
          %dma_start3A_74 = arith.constant 0 : i32
          %dma_start3A_75 = tpu.memref_slice %arg2[%add3A_46, %dma_start3A_74] : memref<781x5120xi32, #tpu.memory_space<hbm>> -> memref<1x5120xi32, #tpu.memory_space<hbm>>
          %dma_start3A_76 = tpu.memref_squeeze %dma_start3A_75 : memref<1x5120xi32, #tpu.memory_space<hbm>> -> memref<5120xi32, #tpu.memory_space<hbm>>
          tpu.enqueue_dma source(%dma_start3A_76 : memref<5120xi32, #tpu.memory_space<hbm>>) target(%arg8 : memref<5120xi32, #tpu.memory_space<vmem>>) target_semaphore(%run_scoped3A : memref<!tpu.dma_semaphore, #tpu.memory_space<semaphore_mem>>)
          %dma_wait3A_77 = arith.constant 0 : i32
          %dma_wait3A_78 = tpu.memref_slice %arg2[%add3A_46, %dma_wait3A_77] : memref<781x5120xi32, #tpu.memory_space<hbm>> -> memref<1x5120xi32, #tpu.memory_space<hbm>>
          %dma_wait3A_79 = tpu.memref_squeeze %dma_wait3A_78 : memref<1x5120xi32, #tpu.memory_space<hbm>> -> memref<5120xi32, #tpu.memory_space<hbm>>
          %dma_wait3A_80 = arith.constant 0 : i32
          %dma_wait3A_81 = tpu.memref_slice %arg2[%add3A_46, %dma_wait3A_80] : memref<781x5120xi32, #tpu.memory_space<hbm>> -> memref<1x5120xi32, #tpu.memory_space<hbm>>
          %dma_wait3A_82 = tpu.memref_squeeze %dma_wait3A_81 : memref<1x5120xi32, #tpu.memory_space<hbm>> -> memref<5120xi32, #tpu.memory_space<hbm>>
          tpu.wait_dma2 semaphore(%run_scoped3A : memref<!tpu.dma_semaphore, #tpu.memory_space<semaphore_mem>>) src(%dma_wait3A_82 : memref<5120xi32, #tpu.memory_space<hbm>>) dst(%arg8 : memref<5120xi32, #tpu.memory_space<vmem>>)
          tpu.yield
        }) : () -> ()
        "tpu.region"() ({
          %run_scoped3A = tpu.sem_alloc : memref<!tpu.dma_semaphore, #tpu.memory_space<semaphore_mem>>
          %dma_start3A_71 = arith.constant 0 : i32
          %dma_start3A_72 = tpu.memref_slice %arg3[%add3A_46, %dma_start3A_71] : memref<781x5120xf32, #tpu.memory_space<hbm>> -> memref<1x5120xf32, #tpu.memory_space<hbm>>
          %dma_start3A_73 = tpu.memref_squeeze %dma_start3A_72 : memref<1x5120xf32, #tpu.memory_space<hbm>> -> memref<5120xf32, #tpu.memory_space<hbm>>
          %dma_start3A_74 = arith.constant 0 : i32
          %dma_start3A_75 = tpu.memref_slice %arg3[%add3A_46, %dma_start3A_74] : memref<781x5120xf32, #tpu.memory_space<hbm>> -> memref<1x5120xf32, #tpu.memory_space<hbm>>
          %dma_start3A_76 = tpu.memref_squeeze %dma_start3A_75 : memref<1x5120xf32, #tpu.memory_space<hbm>> -> memref<5120xf32, #tpu.memory_space<hbm>>
          tpu.enqueue_dma source(%dma_start3A_76 : memref<5120xf32, #tpu.memory_space<hbm>>) target(%arg9 : memref<5120xf32, #tpu.memory_space<vmem>>) target_semaphore(%run_scoped3A : memref<!tpu.dma_semaphore, #tpu.memory_space<semaphore_mem>>)
          %dma_wait3A_77 = arith.constant 0 : i32
          %dma_wait3A_78 = tpu.memref_slice %arg3[%add3A_46, %dma_wait3A_77] : memref<781x5120xf32, #tpu.memory_space<hbm>> -> memref<1x5120xf32, #tpu.memory_space<hbm>>
          %dma_wait3A_79 = tpu.memref_squeeze %dma_wait3A_78 : memref<1x5120xf32, #tpu.memory_space<hbm>> -> memref<5120xf32, #tpu.memory_space<hbm>>
          %dma_wait3A_80 = arith.constant 0 : i32
          %dma_wait3A_81 = tpu.memref_slice %arg3[%add3A_46, %dma_wait3A_80] : memref<781x5120xf32, #tpu.memory_space<hbm>> -> memref<1x5120xf32, #tpu.memory_space<hbm>>
          %dma_wait3A_82 = tpu.memref_squeeze %dma_wait3A_81 : memref<1x5120xf32, #tpu.memory_space<hbm>> -> memref<5120xf32, #tpu.memory_space<hbm>>
          tpu.wait_dma2 semaphore(%run_scoped3A : memref<!tpu.dma_semaphore, #tpu.memory_space<semaphore_mem>>) src(%dma_wait3A_82 : memref<5120xf32, #tpu.memory_space<hbm>>) dst(%arg9 : memref<5120xf32, #tpu.memory_space<vmem>>)
          tpu.yield
        }) : () -> ()
      } else {
      }
      %convert_element_type3A_54 = arith.extui %ge3A_47 : i1 to i32
      %cond3A_55 = arith.constant 0 : i32
      %cond3A_56 = arith.cmpi ne, %convert_element_type3A_54, %cond3A_55 : i32
      scf.if %cond3A_56 {
        "tpu.region"() ({
          %run_scoped3A = tpu.sem_alloc : memref<!tpu.dma_semaphore, #tpu.memory_space<semaphore_mem>>
          tpu.enqueue_dma source(%arg4 : memref<5120xi32, #tpu.memory_space<hbm>>) target(%arg8 : memref<5120xi32, #tpu.memory_space<vmem>>) target_semaphore(%run_scoped3A : memref<!tpu.dma_semaphore, #tpu.memory_space<semaphore_mem>>)
          tpu.wait_dma2 semaphore(%run_scoped3A : memref<!tpu.dma_semaphore, #tpu.memory_space<semaphore_mem>>) src(%arg4 : memref<5120xi32, #tpu.memory_space<hbm>>) dst(%arg8 : memref<5120xi32, #tpu.memory_space<vmem>>)
          tpu.yield
        }) : () -> ()
        "tpu.region"() ({
          %run_scoped3A = tpu.sem_alloc : memref<!tpu.dma_semaphore, #tpu.memory_space<semaphore_mem>>
          tpu.enqueue_dma source(%arg5 : memref<5120xf32, #tpu.memory_space<hbm>>) target(%arg9 : memref<5120xf32, #tpu.memory_space<vmem>>) target_semaphore(%run_scoped3A : memref<!tpu.dma_semaphore, #tpu.memory_space<semaphore_mem>>)
          tpu.wait_dma2 semaphore(%run_scoped3A : memref<!tpu.dma_semaphore, #tpu.memory_space<semaphore_mem>>) src(%arg5 : memref<5120xf32, #tpu.memory_space<hbm>>) dst(%arg9 : memref<5120xf32, #tpu.memory_space<vmem>>)
          tpu.yield
        }) : () -> ()
      } else {
      }
      %scan3A = arith.constant 0 : i32
      %scan3A_57 = arith.constant 0 : i32
      %scan3A_58 = arith.constant 10 : i32
      %scan3A_59 = arith.addi %scan3A_57, %scan3A_58 : i32
      %scan3A_60 = arith.constant 1 : i32
      %scan3A_61 = scf.for %scan3A_71 = %scan3A_57 to %scan3A_59 step %scan3A_60 iter_args(%scan3A_72 = %scan3A) -> (i32)  : i32 {
        %mul3A_73 = arith.constant 2 : i32
        %mul3A_74 = arith.muli %mul3A_73, %scan3A_71 : i32
        %shift_left3A = arith.constant 1 : i32
        %shift_left3A_75 = arith.shli %shift_left3A, %mul3A_74 : i32
        %sub3A_76 = arith.constant 1 : i32
        %sub3A_77 = arith.subi %shift_left3A_75, %sub3A_76 : i32
        %mul3A_78 = arith.constant 4 : i32
        %mul3A_79 = arith.muli %sub3A_77, %mul3A_78 : i32
        %mul3A_80 = arith.constant 4 : i32
        %mul3A_81 = arith.muli %scan3A_71, %mul3A_80 : i32
        %mul3A_82 = arith.constant 128 : i32
        %mul3A_83 = arith.muli %mul3A_81, %mul3A_82 : i32
        %scan3A_84 = arith.constant 0 : i32
        %scan3A_85 = arith.constant 0 : i32
        %scan3A_86 = arith.constant 8 : i32
        %scan3A_87 = arith.addi %scan3A_85, %scan3A_86 : i32
        %scan3A_88 = arith.constant 1 : i32
        %scan3A_89 = scf.for %scan3A_92 = %scan3A_85 to %scan3A_87 step %scan3A_88 iter_args(%scan3A_93 = %scan3A_84) -> (i32)  : i32 {
          %add3A_94 = arith.constant 0 : i32
          %add3A_95 = arith.addi %mul3A_83, %add3A_94 : i32
          %mul3A_96 = arith.constant 16 : i32
          %mul3A_97 = arith.muli %scan3A_92, %mul3A_96 : i32
          %add3A_98 = arith.addi %add3A_95, %mul3A_97 : i32
          %get3A = arith.index_cast %add3A_98 : i32 to index
          %get3A_99 = tpu.vector_load %arg8[%get3A] {strides = array<i32>} : memref<5120xi32, #tpu.memory_space<vmem>>, vector<16xi32>,
          %add3A_100 = vector.broadcast %mul3A_79 : i32 to vector<16xi32>
          %add3A_101 = arith.addi %get3A_99, %add3A_100 : vector<16xi32>
          %mul3A_102 = arith.constant 16 : i32
          %mul3A_103 = arith.muli %scan3A_92, %mul3A_102 : i32
          %add3A_104 = arith.constant 0 : i32
          %add3A_105 = arith.addi %add3A_104, %mul3A_103 : i32
          %swap3A = arith.index_cast %scan3A_71 : i32 to index
          %swap3A_106 = arith.index_cast %add3A_105 : i32 to index
          %swap3A_107 = tpu.vector_load %arg10[%swap3A, %swap3A_106] {strides = array<i32>} : memref<10x512xi32, #tpu.memory_space<vmem>>, vector<16xi32>,
          tpu.vector_store %arg10[%swap3A, %swap3A_106], %add3A_101 {strides = array<i32>} : memref<10x512xi32, #tpu.memory_space<vmem>>, vector<16xi32>,
          %add3A_108 = arith.constant 128 : i32
          %add3A_109 = arith.addi %mul3A_83, %add3A_108 : i32
          %mul3A_110 = arith.constant 16 : i32
          %mul3A_111 = arith.muli %scan3A_92, %mul3A_110 : i32
          %add3A_112 = arith.addi %add3A_109, %mul3A_111 : i32
          %get3A_113 = arith.index_cast %add3A_112 : i32 to index
          %get3A_114 = tpu.vector_load %arg8[%get3A_113] {strides = array<i32>} : memref<5120xi32, #tpu.memory_space<vmem>>, vector<16xi32>,
          %add3A_115 = vector.broadcast %mul3A_79 : i32 to vector<16xi32>
          %add3A_116 = arith.addi %get3A_114, %add3A_115 : vector<16xi32>
          %mul3A_117 = arith.constant 16 : i32
          %mul3A_118 = arith.muli %scan3A_92, %mul3A_117 : i32
          %add3A_119 = arith.constant 128 : i32
          %add3A_120 = arith.addi %add3A_119, %mul3A_118 : i32
          %swap3A_121 = arith.index_cast %scan3A_71 : i32 to index
          %swap3A_122 = arith.index_cast %add3A_120 : i32 to index
          %swap3A_123 = tpu.vector_load %arg10[%swap3A_121, %swap3A_122] {strides = array<i32>} : memref<10x512xi32, #tpu.memory_space<vmem>>, vector<16xi32>,
          tpu.vector_store %arg10[%swap3A_121, %swap3A_122], %add3A_116 {strides = array<i32>} : memref<10x512xi32, #tpu.memory_space<vmem>>, vector<16xi32>,
          %add3A_124 = arith.constant 256 : i32
          %add3A_125 = arith.addi %mul3A_83, %add3A_124 : i32
          %mul3A_126 = arith.constant 16 : i32
          %mul3A_127 = arith.muli %scan3A_92, %mul3A_126 : i32
          %add3A_128 = arith.addi %add3A_125, %mul3A_127 : i32
          %get3A_129 = arith.index_cast %add3A_128 : i32 to index
          %get3A_130 = tpu.vector_load %arg8[%get3A_129] {strides = array<i32>} : memref<5120xi32, #tpu.memory_space<vmem>>, vector<16xi32>,
          %add3A_131 = vector.broadcast %mul3A_79 : i32 to vector<16xi32>
          %add3A_132 = arith.addi %get3A_130, %add3A_131 : vector<16xi32>
          %mul3A_133 = arith.constant 16 : i32
          %mul3A_134 = arith.muli %scan3A_92, %mul3A_133 : i32
          %add3A_135 = arith.constant 256 : i32
          %add3A_136 = arith.addi %add3A_135, %mul3A_134 : i32
          %swap3A_137 = arith.index_cast %scan3A_71 : i32 to index
          %swap3A_138 = arith.index_cast %add3A_136 : i32 to index
          %swap3A_139 = tpu.vector_load %arg10[%swap3A_137, %swap3A_138] {strides = array<i32>} : memref<10x512xi32, #tpu.memory_space<vmem>>, vector<16xi32>,
          tpu.vector_store %arg10[%swap3A_137, %swap3A_138], %add3A_132 {strides = array<i32>} : memref<10x512xi32, #tpu.memory_space<vmem>>, vector<16xi32>,
          %add3A_140 = arith.constant 384 : i32
          %add3A_141 = arith.addi %mul3A_83, %add3A_140 : i32
          %mul3A_142 = arith.constant 16 : i32
          %mul3A_143 = arith.muli %scan3A_92, %mul3A_142 : i32
          %add3A_144 = arith.addi %add3A_141, %mul3A_143 : i32
          %get3A_145 = arith.index_cast %add3A_144 : i32 to index
          %get3A_146 = tpu.vector_load %arg8[%get3A_145] {strides = array<i32>} : memref<5120xi32, #tpu.memory_space<vmem>>, vector<16xi32>,
          %add3A_147 = vector.broadcast %mul3A_79 : i32 to vector<16xi32>
          %add3A_148 = arith.addi %get3A_146, %add3A_147 : vector<16xi32>
          %mul3A_149 = arith.constant 16 : i32
          %mul3A_150 = arith.muli %scan3A_92, %mul3A_149 : i32
          %add3A_151 = arith.constant 384 : i32
          %add3A_152 = arith.addi %add3A_151, %mul3A_150 : i32
          %swap3A_153 = arith.index_cast %scan3A_71 : i32 to index
          %swap3A_154 = arith.index_cast %add3A_152 : i32 to index
          %swap3A_155 = tpu.vector_load %arg10[%swap3A_153, %swap3A_154] {strides = array<i32>} : memref<10x512xi32, #tpu.memory_space<vmem>>, vector<16xi32>,
          tpu.vector_store %arg10[%swap3A_153, %swap3A_154], %add3A_148 {strides = array<i32>} : memref<10x512xi32, #tpu.memory_space<vmem>>, vector<16xi32>,
          %scan3A_156 = arith.constant 0 : i32
          scf.yield %scan3A_156 : i32
        }
        %scan3A_90 = arith.constant 8 : i32
        %scan3A_91 = arith.constant 0 : i32
        scf.yield %scan3A_91 : i32
      }
      %scan3A_62 = arith.constant 10 : i32
      %gt3A = arith.constant 0 : i32
      %gt3A_63 = arith.cmpi sgt, %while3A_42, %gt3A : i32
      %convert_element_type3A_64 = arith.extui %gt3A_63 : i1 to i32
      %cond3A_65 = arith.constant 0 : i32
      %cond3A_66 = arith.cmpi ne, %convert_element_type3A_64, %cond3A_65 : i32
      scf.if %cond3A_66 {
        %dma_wait3A_71 = arith.constant 0 : i32
        %dma_wait3A_72 = arith.constant 0 : i32
        %dma_wait3A_73 = tpu.memref_slice %arg7[%dma_wait3A_71, %dma_wait3A_72] : memref<100000x160xf32, #tpu.memory_space<hbm>> -> memref<128x160xf32, #tpu.memory_space<hbm>>
        %dma_wait3A_74 = arith.constant 0 : i32
        %dma_wait3A_75 = arith.constant 0 : i32
        %dma_wait3A_76 = tpu.memref_slice %arg7[%dma_wait3A_74, %dma_wait3A_75] : memref<100000x160xf32, #tpu.memory_space<hbm>> -> memref<128x160xf32, #tpu.memory_space<hbm>>
        tpu.wait_dma2 semaphore(%arg17 : memref<!tpu.dma_semaphore, #tpu.memory_space<semaphore_mem>>) src(%arg12 : memref<128x160xf32, #tpu.memory_space<vmem>>) dst(%dma_wait3A_76 : memref<128x160xf32, #tpu.memory_space<hbm>>)
      } else {
      }
      %dma_start3A = arith.constant 0 : i32
      %dma_start3A_67 = tpu.memref_slice %arg7[%select_n3A_51, %dma_start3A] : memref<100000x160xf32, #tpu.memory_space<hbm>> -> memref<128x160xf32, #tpu.memory_space<hbm>>
      %dma_start3A_68 = arith.constant 0 : i32
      %dma_start3A_69 = tpu.memref_slice %arg7[%select_n3A_51, %dma_start3A_68] : memref<100000x160xf32, #tpu.memory_space<hbm>> -> memref<128x160xf32, #tpu.memory_space<hbm>>
      tpu.enqueue_dma source(%arg12 : memref<128x160xf32, #tpu.memory_space<vmem>>) target(%dma_start3A_69 : memref<128x160xf32, #tpu.memory_space<hbm>>) target_semaphore(%arg17 : memref<!tpu.dma_semaphore, #tpu.memory_space<semaphore_mem>>)
      %while3A_70 = arith.constant 0 : i32
      scf.yield %while3A_70 : i32
    }
    %while3A_35 = arith.constant 1 : i32
    %while3A_36 = scf.for %while3A_42 = %while3A_32 to %while3A_28 step %while3A_35 iter_args(%while3A_43 = %while3A_34) -> (i32)  : i32 {
      %mul3A_44 = arith.constant 32 : i32
      %mul3A_45 = arith.muli %while3A_42, %mul3A_44 : i32
      %add3A_46 = arith.addi %add3A, %mul3A_45 : i32
      %ge3A = arith.constant 781 : i32
      %ge3A_47 = arith.cmpi sge, %add3A_46, %ge3A : i32
      %mul3A_48 = arith.constant 128 : i32
      %mul3A_49 = arith.muli %add3A_46, %mul3A_48 : i32
      %jit3A_50 = arith.constant 99872 : i32
      %select_n3A_51 = arith.select %ge3A_47, %jit3A_50, %mul3A_49 : i32
      %not3A = arith.constant true
      %not3A_52 = arith.xori %ge3A_47, %not3A : i1
      %convert_element_type3A = arith.extui %not3A_52 : i1 to i32
      %cond3A = arith.constant 0 : i32
      %cond3A_53 = arith.cmpi ne, %convert_element_type3A, %cond3A : i32
      scf.if %cond3A_53 {
        "tpu.region"() ({
          %run_scoped3A = tpu.sem_alloc : memref<!tpu.dma_semaphore, #tpu.memory_space<semaphore_mem>>
          %dma_start3A_71 = arith.constant 0 : i32
          %dma_start3A_72 = tpu.memref_slice %arg2[%add3A_46, %dma_start3A_71] : memref<781x5120xi32, #tpu.memory_space<hbm>> -> memref<1x5120xi32, #tpu.memory_space<hbm>>
          %dma_start3A_73 = tpu.memref_squeeze %dma_start3A_72 : memref<1x5120xi32, #tpu.memory_space<hbm>> -> memref<5120xi32, #tpu.memory_space<hbm>>
          %dma_start3A_74 = arith.constant 0 : i32
          %dma_start3A_75 = tpu.memref_slice %arg2[%add3A_46, %dma_start3A_74] : memref<781x5120xi32, #tpu.memory_space<hbm>> -> memref<1x5120xi32, #tpu.memory_space<hbm>>
          %dma_start3A_76 = tpu.memref_squeeze %dma_start3A_75 : memref<1x5120xi32, #tpu.memory_space<hbm>> -> memref<5120xi32, #tpu.memory_space<hbm>>
          tpu.enqueue_dma source(%dma_start3A_76 : memref<5120xi32, #tpu.memory_space<hbm>>) target(%arg8 : memref<5120xi32, #tpu.memory_space<vmem>>) target_semaphore(%run_scoped3A : memref<!tpu.dma_semaphore, #tpu.memory_space<semaphore_mem>>)
          %dma_wait3A_77 = arith.constant 0 : i32
          %dma_wait3A_78 = tpu.memref_slice %arg2[%add3A_46, %dma_wait3A_77] : memref<781x5120xi32, #tpu.memory_space<hbm>> -> memref<1x5120xi32, #tpu.memory_space<hbm>>
          %dma_wait3A_79 = tpu.memref_squeeze %dma_wait3A_78 : memref<1x5120xi32, #tpu.memory_space<hbm>> -> memref<5120xi32, #tpu.memory_space<hbm>>
          %dma_wait3A_80 = arith.constant 0 : i32
          %dma_wait3A_81 = tpu.memref_slice %arg2[%add3A_46, %dma_wait3A_80] : memref<781x5120xi32, #tpu.memory_space<hbm>> -> memref<1x5120xi32, #tpu.memory_space<hbm>>
          %dma_wait3A_82 = tpu.memref_squeeze %dma_wait3A_81 : memref<1x5120xi32, #tpu.memory_space<hbm>> -> memref<5120xi32, #tpu.memory_space<hbm>>
          tpu.wait_dma2 semaphore(%run_scoped3A : memref<!tpu.dma_semaphore, #tpu.memory_space<semaphore_mem>>) src(%dma_wait3A_82 : memref<5120xi32, #tpu.memory_space<hbm>>) dst(%arg8 : memref<5120xi32, #tpu.memory_space<vmem>>)
          tpu.yield
        }) : () -> ()
        "tpu.region"() ({
          %run_scoped3A = tpu.sem_alloc : memref<!tpu.dma_semaphore, #tpu.memory_space<semaphore_mem>>
          %dma_start3A_71 = arith.constant 0 : i32
          %dma_start3A_72 = tpu.memref_slice %arg3[%add3A_46, %dma_start3A_71] : memref<781x5120xf32, #tpu.memory_space<hbm>> -> memref<1x5120xf32, #tpu.memory_space<hbm>>
          %dma_start3A_73 = tpu.memref_squeeze %dma_start3A_72 : memref<1x5120xf32, #tpu.memory_space<hbm>> -> memref<5120xf32, #tpu.memory_space<hbm>>
          %dma_start3A_74 = arith.constant 0 : i32
          %dma_start3A_75 = tpu.memref_slice %arg3[%add3A_46, %dma_start3A_74] : memref<781x5120xf32, #tpu.memory_space<hbm>> -> memref<1x5120xf32, #tpu.memory_space<hbm>>
          %dma_start3A_76 = tpu.memref_squeeze %dma_start3A_75 : memref<1x5120xf32, #tpu.memory_space<hbm>> -> memref<5120xf32, #tpu.memory_space<hbm>>
          tpu.enqueue_dma source(%dma_start3A_76 : memref<5120xf32, #tpu.memory_space<hbm>>) target(%arg9 : memref<5120xf32, #tpu.memory_space<vmem>>) target_semaphore(%run_scoped3A : memref<!tpu.dma_semaphore, #tpu.memory_space<semaphore_mem>>)
          %dma_wait3A_77 = arith.constant 0 : i32
          %dma_wait3A_78 = tpu.memref_slice %arg3[%add3A_46, %dma_wait3A_77] : memref<781x5120xf32, #tpu.memory_space<hbm>> -> memref<1x5120xf32, #tpu.memory_space<hbm>>
          %dma_wait3A_79 = tpu.memref_squeeze %dma_wait3A_78 : memref<1x5120xf32, #tpu.memory_space<hbm>> -> memref<5120xf32, #tpu.memory_space<hbm>>
          %dma_wait3A_80 = arith.constant 0 : i32
          %dma_wait3A_81 = tpu.memref_slice %arg3[%add3A_46, %dma_wait3A_80] : memref<781x5120xf32, #tpu.memory_space<hbm>> -> memref<1x5120xf32, #tpu.memory_space<hbm>>
          %dma_wait3A_82 = tpu.memref_squeeze %dma_wait3A_81 : memref<1x5120xf32, #tpu.memory_space<hbm>> -> memref<5120xf32, #tpu.memory_space<hbm>>
          tpu.wait_dma2 semaphore(%run_scoped3A : memref<!tpu.dma_semaphore, #tpu.memory_space<semaphore_mem>>) src(%dma_wait3A_82 : memref<5120xf32, #tpu.memory_space<hbm>>) dst(%arg9 : memref<5120xf32, #tpu.memory_space<vmem>>)
          tpu.yield
        }) : () -> ()
      } else {
      }
      %convert_element_type3A_54 = arith.extui %ge3A_47 : i1 to i32
      %cond3A_55 = arith.constant 0 : i32
      %cond3A_56 = arith.cmpi ne, %convert_element_type3A_54, %cond3A_55 : i32
      scf.if %cond3A_56 {
        "tpu.region"() ({
          %run_scoped3A = tpu.sem_alloc : memref<!tpu.dma_semaphore, #tpu.memory_space<semaphore_mem>>
          tpu.enqueue_dma source(%arg4 : memref<5120xi32, #tpu.memory_space<hbm>>) target(%arg8 : memref<5120xi32, #tpu.memory_space<vmem>>) target_semaphore(%run_scoped3A : memref<!tpu.dma_semaphore, #tpu.memory_space<semaphore_mem>>)
          tpu.wait_dma2 semaphore(%run_scoped3A : memref<!tpu.dma_semaphore, #tpu.memory_space<semaphore_mem>>) src(%arg4 : memref<5120xi32, #tpu.memory_space<hbm>>) dst(%arg8 : memref<5120xi32, #tpu.memory_space<vmem>>)
          tpu.yield
        }) : () -> ()
        "tpu.region"() ({
          %run_scoped3A = tpu.sem_alloc : memref<!tpu.dma_semaphore, #tpu.memory_space<semaphore_mem>>
          tpu.enqueue_dma source(%arg5 : memref<5120xf32, #tpu.memory_space<hbm>>) target(%arg9 : memref<5120xf32, #tpu.memory_space<vmem>>) target_semaphore(%run_scoped3A : memref<!tpu.dma_semaphore, #tpu.memory_space<semaphore_mem>>)
          tpu.wait_dma2 semaphore(%run_scoped3A : memref<!tpu.dma_semaphore, #tpu.memory_space<semaphore_mem>>) src(%arg5 : memref<5120xf32, #tpu.memory_space<hbm>>) dst(%arg9 : memref<5120xf32, #tpu.memory_space<vmem>>)
          tpu.yield
        }) : () -> ()
      } else {
      }
      %scan3A = arith.constant 0 : i32
      %scan3A_57 = arith.constant 0 : i32
      %scan3A_58 = arith.constant 10 : i32
      %scan3A_59 = arith.addi %scan3A_57, %scan3A_58 : i32
      %scan3A_60 = arith.constant 1 : i32
      %scan3A_61 = scf.for %scan3A_71 = %scan3A_57 to %scan3A_59 step %scan3A_60 iter_args(%scan3A_72 = %scan3A) -> (i32)  : i32 {
        %mul3A_73 = arith.constant 2 : i32
        %mul3A_74 = arith.muli %mul3A_73, %scan3A_71 : i32
        %shift_left3A = arith.constant 1 : i32
        %shift_left3A_75 = arith.shli %shift_left3A, %mul3A_74 : i32
        %sub3A_76 = arith.constant 1 : i32
        %sub3A_77 = arith.subi %shift_left3A_75, %sub3A_76 : i32
        %mul3A_78 = arith.constant 4 : i32
        %mul3A_79 = arith.muli %sub3A_77, %mul3A_78 : i32
        %mul3A_80 = arith.constant 4 : i32
        %mul3A_81 = arith.muli %scan3A_71, %mul3A_80 : i32
        %mul3A_82 = arith.constant 128 : i32
        %mul3A_83 = arith.muli %mul3A_81, %mul3A_82 : i32
        %scan3A_84 = arith.constant 0 : i32
        %scan3A_85 = arith.constant 0 : i32
        %scan3A_86 = arith.constant 8 : i32
        %scan3A_87 = arith.addi %scan3A_85, %scan3A_86 : i32
        %scan3A_88 = arith.constant 1 : i32
        %scan3A_89 = scf.for %scan3A_92 = %scan3A_85 to %scan3A_87 step %scan3A_88 iter_args(%scan3A_93 = %scan3A_84) -> (i32)  : i32 {
          %add3A_94 = arith.constant 0 : i32
          %add3A_95 = arith.addi %mul3A_83, %add3A_94 : i32
          %mul3A_96 = arith.constant 16 : i32
          %mul3A_97 = arith.muli %scan3A_92, %mul3A_96 : i32
          %add3A_98 = arith.addi %add3A_95, %mul3A_97 : i32
          %get3A = arith.index_cast %add3A_98 : i32 to index
          %get3A_99 = tpu.vector_load %arg8[%get3A] {strides = array<i32>} : memref<5120xi32, #tpu.memory_space<vmem>>, vector<16xi32>,
          %add3A_100 = vector.broadcast %mul3A_79 : i32 to vector<16xi32>
          %add3A_101 = arith.addi %get3A_99, %add3A_100 : vector<16xi32>
          %mul3A_102 = arith.constant 16 : i32
          %mul3A_103 = arith.muli %scan3A_92, %mul3A_102 : i32
          %add3A_104 = arith.constant 0 : i32
          %add3A_105 = arith.addi %add3A_104, %mul3A_103 : i32
          %swap3A = arith.index_cast %scan3A_71 : i32 to index
          %swap3A_106 = arith.index_cast %add3A_105 : i32 to index
          %swap3A_107 = tpu.vector_load %arg10[%swap3A, %swap3A_106] {strides = array<i32>} : memref<10x512xi32, #tpu.memory_space<vmem>>, vector<16xi32>,
          tpu.vector_store %arg10[%swap3A, %swap3A_106], %add3A_101 {strides = array<i32>} : memref<10x512xi32, #tpu.memory_space<vmem>>, vector<16xi32>,
          %add3A_108 = arith.constant 128 : i32
          %add3A_109 = arith.addi %mul3A_83, %add3A_108 : i32
          %mul3A_110 = arith.constant 16 : i32
          %mul3A_111 = arith.muli %scan3A_92, %mul3A_110 : i32
          %add3A_112 = arith.addi %add3A_109, %mul3A_111 : i32
          %get3A_113 = arith.index_cast %add3A_112 : i32 to index
          %get3A_114 = tpu.vector_load %arg8[%get3A_113] {strides = array<i32>} : memref<5120xi32, #tpu.memory_space<vmem>>, vector<16xi32>,
          %add3A_115 = vector.broadcast %mul3A_79 : i32 to vector<16xi32>
          %add3A_116 = arith.addi %get3A_114, %add3A_115 : vector<16xi32>
          %mul3A_117 = arith.constant 16 : i32
          %mul3A_118 = arith.muli %scan3A_92, %mul3A_117 : i32
          %add3A_119 = arith.constant 128 : i32
          %add3A_120 = arith.addi %add3A_119, %mul3A_118 : i32
          %swap3A_121 = arith.index_cast %scan3A_71 : i32 to index
          %swap3A_122 = arith.index_cast %add3A_120 : i32 to index
          %swap3A_123 = tpu.vector_load %arg10[%swap3A_121, %swap3A_122] {strides = array<i32>} : memref<10x512xi32, #tpu.memory_space<vmem>>, vector<16xi32>,
          tpu.vector_store %arg10[%swap3A_121, %swap3A_122], %add3A_116 {strides = array<i32>} : memref<10x512xi32, #tpu.memory_space<vmem>>, vector<16xi32>,
          %add3A_124 = arith.constant 256 : i32
          %add3A_125 = arith.addi %mul3A_83, %add3A_124 : i32
          %mul3A_126 = arith.constant 16 : i32
          %mul3A_127 = arith.muli %scan3A_92, %mul3A_126 : i32
          %add3A_128 = arith.addi %add3A_125, %mul3A_127 : i32
          %get3A_129 = arith.index_cast %add3A_128 : i32 to index
          %get3A_130 = tpu.vector_load %arg8[%get3A_129] {strides = array<i32>} : memref<5120xi32, #tpu.memory_space<vmem>>, vector<16xi32>,
          %add3A_131 = vector.broadcast %mul3A_79 : i32 to vector<16xi32>
          %add3A_132 = arith.addi %get3A_130, %add3A_131 : vector<16xi32>
          %mul3A_133 = arith.constant 16 : i32
          %mul3A_134 = arith.muli %scan3A_92, %mul3A_133 : i32
          %add3A_135 = arith.constant 256 : i32
          %add3A_136 = arith.addi %add3A_135, %mul3A_134 : i32
          %swap3A_137 = arith.index_cast %scan3A_71 : i32 to index
          %swap3A_138 = arith.index_cast %add3A_136 : i32 to index
          %swap3A_139 = tpu.vector_load %arg10[%swap3A_137, %swap3A_138] {strides = array<i32>} : memref<10x512xi32, #tpu.memory_space<vmem>>, vector<16xi32>,
          tpu.vector_store %arg10[%swap3A_137, %swap3A_138], %add3A_132 {strides = array<i32>} : memref<10x512xi32, #tpu.memory_space<vmem>>, vector<16xi32>,
          %add3A_140 = arith.constant 384 : i32
          %add3A_141 = arith.addi %mul3A_83, %add3A_140 : i32
          %mul3A_142 = arith.constant 16 : i32
          %mul3A_143 = arith.muli %scan3A_92, %mul3A_142 : i32
          %add3A_144 = arith.addi %add3A_141, %mul3A_143 : i32
          %get3A_145 = arith.index_cast %add3A_144 : i32 to index
          %get3A_146 = tpu.vector_load %arg8[%get3A_145] {strides = array<i32>} : memref<5120xi32, #tpu.memory_space<vmem>>, vector<16xi32>,
          %add3A_147 = vector.broadcast %mul3A_79 : i32 to vector<16xi32>
          %add3A_148 = arith.addi %get3A_146, %add3A_147 : vector<16xi32>
          %mul3A_149 = arith.constant 16 : i32
          %mul3A_150 = arith.muli %scan3A_92, %mul3A_149 : i32
          %add3A_151 = arith.constant 384 : i32
          %add3A_152 = arith.addi %add3A_151, %mul3A_150 : i32
          %swap3A_153 = arith.index_cast %scan3A_71 : i32 to index
          %swap3A_154 = arith.index_cast %add3A_152 : i32 to index
          %swap3A_155 = tpu.vector_load %arg10[%swap3A_153, %swap3A_154] {strides = array<i32>} : memref<10x512xi32, #tpu.memory_space<vmem>>, vector<16xi32>,
          tpu.vector_store %arg10[%swap3A_153, %swap3A_154], %add3A_148 {strides = array<i32>} : memref<10x512xi32, #tpu.memory_space<vmem>>, vector<16xi32>,
          %scan3A_156 = arith.constant 0 : i32
          scf.yield %scan3A_156 : i32
        }
        %scan3A_90 = arith.constant 8 : i32
        %scan3A_91 = arith.constant 0 : i32
        scf.yield %scan3A_91 : i32
      }
      %scan3A_62 = arith.constant 10 : i32
      %gt3A = arith.constant 0 : i32
      %gt3A_63 = arith.cmpi sgt, %while3A_42, %gt3A : i32
      %convert_element_type3A_64 = arith.extui %gt3A_63 : i1 to i32
      %cond3A_65 = arith.constant 0 : i32
      %cond3A_66 = arith.cmpi ne, %convert_element_type3A_64, %cond3A_65 : i32
      scf.if %cond3A_66 {
        %dma_wait3A_71 = arith.constant 0 : i32
        %dma_wait3A_72 = arith.constant 0 : i32
        %dma_wait3A_73 = tpu.memref_slice %arg7[%dma_wait3A_71, %dma_wait3A_72] : memref<100000x160xf32, #tpu.memory_space<hbm>> -> memref<128x160xf32, #tpu.memory_space<hbm>>
        %dma_wait3A_74 = arith.constant 0 : i32
        %dma_wait3A_75 = arith.constant 0 : i32
        %dma_wait3A_76 = tpu.memref_slice %arg7[%dma_wait3A_74, %dma_wait3A_75] : memref<100000x160xf32, #tpu.memory_space<hbm>> -> memref<128x160xf32, #tpu.memory_space<hbm>>
        tpu.wait_dma2 semaphore(%arg17 : memref<!tpu.dma_semaphore, #tpu.memory_space<semaphore_mem>>) src(%arg12 : memref<128x160xf32, #tpu.memory_space<vmem>>) dst(%dma_wait3A_76 : memref<128x160xf32, #tpu.memory_space<hbm>>)
      } else {
      }
      %dma_start3A = arith.constant 0 : i32
      %dma_start3A_67 = tpu.memref_slice %arg7[%select_n3A_51, %dma_start3A] : memref<100000x160xf32, #tpu.memory_space<hbm>> -> memref<128x160xf32, #tpu.memory_space<hbm>>
      %dma_start3A_68 = arith.constant 0 : i32
      %dma_start3A_69 = tpu.memref_slice %arg7[%select_n3A_51, %dma_start3A_68] : memref<100000x160xf32, #tpu.memory_space<hbm>> -> memref<128x160xf32, #tpu.memory_space<hbm>>
      tpu.enqueue_dma source(%arg12 : memref<128x160xf32, #tpu.memory_space<vmem>>) target(%dma_start3A_69 : memref<128x160xf32, #tpu.memory_space<hbm>>) target_semaphore(%arg17 : memref<!tpu.dma_semaphore, #tpu.memory_space<semaphore_mem>>)
      %while3A_70 = arith.constant 0 : i32
      scf.yield %while3A_70 : i32
    }
    %dma_wait3A = arith.constant 0 : i32
    %dma_wait3A_37 = arith.constant 0 : i32
    %dma_wait3A_38 = tpu.memref_slice %arg7[%dma_wait3A, %dma_wait3A_37] : memref<100000x160xf32, #tpu.memory_space<hbm>> -> memref<128x160xf32, #tpu.memory_space<hbm>>
    %dma_wait3A_39 = arith.constant 0 : i32
    %dma_wait3A_40 = arith.constant 0 : i32
    %dma_wait3A_41 = tpu.memref_slice %arg7[%dma_wait3A_39, %dma_wait3A_40] : memref<100000x160xf32, #tpu.memory_space<hbm>> -> memref<128x160xf32, #tpu.memory_space<hbm>>
    tpu.wait_dma2 semaphore(%arg17 : memref<!tpu.dma_semaphore, #tpu.memory_space<semaphore_mem>>) src(%arg12 : memref<128x160xf32, #tpu.memory_space<vmem>>) dst(%dma_wait3A_41 : memref<128x160xf32, #tpu.memory_space<hbm>>)
    return
  }
}

module attributes {stable_mosaic.version = 14 : i64} {
  func.func @_reblock_body(%arg0: i32, %arg1: memref<1x4x99968xf32, #tpu.memory_space<vmem>>, %arg2: memref<781x512xf32, #tpu.memory_space<vmem>>) attributes {dimension_semantics = [#tpu.dimension_semantics<arbitrary>], iteration_bounds = array<i64: 10>, scalar_prefetch = 0 : i64, scratch_operands = 0 : i64, tpu.core_type = #tpu.core_type<tc>, window_params = [{transform_indices = @transform_0, window_bounds = array<i64: 1, 4, 99968>}, {transform_indices = @transform_1, window_bounds = array<i64: 781, 512>}]} {
    %get3A = arith.constant 0 : index
    %get3A_0 = arith.constant 0 : index
    %get3A_1 = arith.constant 0 : index
    %get3A_2 = vector.load %arg1[%get3A, %get3A_0, %get3A_1] : memref<1x4x99968xf32, #tpu.memory_space<vmem>>, vector<1x4x99968xf32>
    %reshape3A = vector.shape_cast %get3A_2 : vector<1x4x99968xf32> to vector<4x781x128xf32>
    %slice3A = vector.extract_strided_slice %reshape3A {offsets = [0, 0, 0], sizes = [1, 781, 128], strides = [1, 1, 1]} : vector<4x781x128xf32> to vector<1x781x128xf32>
    %squeeze3A = vector.shape_cast %slice3A : vector<1x781x128xf32> to vector<781x128xf32>
    %swap3A = arith.constant 0 : index
    %swap3A_3 = arith.constant 0 : index
    %swap3A_4 = vector.load %arg2[%swap3A, %swap3A_3] : memref<781x512xf32, #tpu.memory_space<vmem>>, vector<781x128xf32>
    tpu.vector_store %arg2[%swap3A, %swap3A_3], %squeeze3A {strides = array<i32>} : memref<781x512xf32, #tpu.memory_space<vmem>>, vector<781x128xf32>,
    %slice3A_5 = vector.extract_strided_slice %reshape3A {offsets = [1, 0, 0], sizes = [1, 781, 128], strides = [1, 1, 1]} : vector<4x781x128xf32> to vector<1x781x128xf32>
    %squeeze3A_6 = vector.shape_cast %slice3A_5 : vector<1x781x128xf32> to vector<781x128xf32>
    %swap3A_7 = arith.constant 0 : index
    %swap3A_8 = arith.constant 128 : index
    %swap3A_9 = vector.load %arg2[%swap3A_7, %swap3A_8] : memref<781x512xf32, #tpu.memory_space<vmem>>, vector<781x128xf32>
    tpu.vector_store %arg2[%swap3A_7, %swap3A_8], %squeeze3A_6 {strides = array<i32>} : memref<781x512xf32, #tpu.memory_space<vmem>>, vector<781x128xf32>,
    %slice3A_10 = vector.extract_strided_slice %reshape3A {offsets = [2, 0, 0], sizes = [1, 781, 128], strides = [1, 1, 1]} : vector<4x781x128xf32> to vector<1x781x128xf32>
    %squeeze3A_11 = vector.shape_cast %slice3A_10 : vector<1x781x128xf32> to vector<781x128xf32>
    %swap3A_12 = arith.constant 0 : index
    %swap3A_13 = arith.constant 256 : index
    %swap3A_14 = vector.load %arg2[%swap3A_12, %swap3A_13] : memref<781x512xf32, #tpu.memory_space<vmem>>, vector<781x128xf32>
    tpu.vector_store %arg2[%swap3A_12, %swap3A_13], %squeeze3A_11 {strides = array<i32>} : memref<781x512xf32, #tpu.memory_space<vmem>>, vector<781x128xf32>,
    %slice3A_15 = vector.extract_strided_slice %reshape3A {offsets = [3, 0, 0], sizes = [1, 781, 128], strides = [1, 1, 1]} : vector<4x781x128xf32> to vector<1x781x128xf32>
    %squeeze3A_16 = vector.shape_cast %slice3A_15 : vector<1x781x128xf32> to vector<781x128xf32>
    %swap3A_17 = arith.constant 0 : index
    %swap3A_18 = arith.constant 384 : index
    %swap3A_19 = vector.load %arg2[%swap3A_17, %swap3A_18] : memref<781x512xf32, #tpu.memory_space<vmem>>, vector<781x128xf32>
    tpu.vector_store %arg2[%swap3A_17, %swap3A_18], %squeeze3A_16 {strides = array<i32>} : memref<781x512xf32, #tpu.memory_space<vmem>>, vector<781x128xf32>,
    return
  }
  func.func @transform_0(%arg0: i32) -> (i32, i32, i32) {
    %c0_i32 = arith.constant 0 : i32
    %c0_i32_0 = arith.constant 0 : i32
    %c0_i32_1 = arith.constant 0 : i32
    return %arg0, %c0_i32, %c0_i32_0 : i32, i32, i32
  }
  func.func @transform_1(%arg0: i32) -> (i32, i32) {
    %c0_i32 = arith.constant 0 : i32
    %c0_i32_0 = arith.constant 0 : i32
    return %c0_i32, %arg0 : i32, i32
  }
}

module attributes {stable_mosaic.version = 14 : i64} {
  func.func @_reblock_body(%arg0: i32, %arg1: memref<1x4x99968xi32, #tpu.memory_space<vmem>>, %arg2: memref<781x512xi32, #tpu.memory_space<vmem>>) attributes {dimension_semantics = [#tpu.dimension_semantics<arbitrary>], iteration_bounds = array<i64: 10>, scalar_prefetch = 0 : i64, scratch_operands = 0 : i64, tpu.core_type = #tpu.core_type<tc>, window_params = [{transform_indices = @transform_0, window_bounds = array<i64: 1, 4, 99968>}, {transform_indices = @transform_1, window_bounds = array<i64: 781, 512>}]} {
    %get3A = arith.constant 0 : index
    %get3A_0 = arith.constant 0 : index
    %get3A_1 = arith.constant 0 : index
    %get3A_2 = vector.load %arg1[%get3A, %get3A_0, %get3A_1] : memref<1x4x99968xi32, #tpu.memory_space<vmem>>, vector<1x4x99968xi32>
    %reshape3A = vector.shape_cast %get3A_2 : vector<1x4x99968xi32> to vector<4x781x128xi32>
    %slice3A = vector.extract_strided_slice %reshape3A {offsets = [0, 0, 0], sizes = [1, 781, 128], strides = [1, 1, 1]} : vector<4x781x128xi32> to vector<1x781x128xi32>
    %squeeze3A = vector.shape_cast %slice3A : vector<1x781x128xi32> to vector<781x128xi32>
    %swap3A = arith.constant 0 : index
    %swap3A_3 = arith.constant 0 : index
    %swap3A_4 = vector.load %arg2[%swap3A, %swap3A_3] : memref<781x512xi32, #tpu.memory_space<vmem>>, vector<781x128xi32>
    tpu.vector_store %arg2[%swap3A, %swap3A_3], %squeeze3A {strides = array<i32>} : memref<781x512xi32, #tpu.memory_space<vmem>>, vector<781x128xi32>,
    %slice3A_5 = vector.extract_strided_slice %reshape3A {offsets = [1, 0, 0], sizes = [1, 781, 128], strides = [1, 1, 1]} : vector<4x781x128xi32> to vector<1x781x128xi32>
    %squeeze3A_6 = vector.shape_cast %slice3A_5 : vector<1x781x128xi32> to vector<781x128xi32>
    %swap3A_7 = arith.constant 0 : index
    %swap3A_8 = arith.constant 128 : index
    %swap3A_9 = vector.load %arg2[%swap3A_7, %swap3A_8] : memref<781x512xi32, #tpu.memory_space<vmem>>, vector<781x128xi32>
    tpu.vector_store %arg2[%swap3A_7, %swap3A_8], %squeeze3A_6 {strides = array<i32>} : memref<781x512xi32, #tpu.memory_space<vmem>>, vector<781x128xi32>,
    %slice3A_10 = vector.extract_strided_slice %reshape3A {offsets = [2, 0, 0], sizes = [1, 781, 128], strides = [1, 1, 1]} : vector<4x781x128xi32> to vector<1x781x128xi32>
    %squeeze3A_11 = vector.shape_cast %slice3A_10 : vector<1x781x128xi32> to vector<781x128xi32>
    %swap3A_12 = arith.constant 0 : index
    %swap3A_13 = arith.constant 256 : index
    %swap3A_14 = vector.load %arg2[%swap3A_12, %swap3A_13] : memref<781x512xi32, #tpu.memory_space<vmem>>, vector<781x128xi32>
    tpu.vector_store %arg2[%swap3A_12, %swap3A_13], %squeeze3A_11 {strides = array<i32>} : memref<781x512xi32, #tpu.memory_space<vmem>>, vector<781x128xi32>,
    %slice3A_15 = vector.extract_strided_slice %reshape3A {offsets = [3, 0, 0], sizes = [1, 781, 128], strides = [1, 1, 1]} : vector<4x781x128xi32> to vector<1x781x128xi32>
    %squeeze3A_16 = vector.shape_cast %slice3A_15 : vector<1x781x128xi32> to vector<781x128xi32>
    %swap3A_17 = arith.constant 0 : index
    %swap3A_18 = arith.constant 384 : index
    %swap3A_19 = vector.load %arg2[%swap3A_17, %swap3A_18] : memref<781x512xi32, #tpu.memory_space<vmem>>, vector<781x128xi32>
    tpu.vector_store %arg2[%swap3A_17, %swap3A_18], %squeeze3A_16 {strides = array<i32>} : memref<781x512xi32, #tpu.memory_space<vmem>>, vector<781x128xi32>,
    return
  }
  func.func @transform_0(%arg0: i32) -> (i32, i32, i32) {
    %c0_i32 = arith.constant 0 : i32
    %c0_i32_0 = arith.constant 0 : i32
    %c0_i32_1 = arith.constant 0 : i32
    return %arg0, %c0_i32, %c0_i32_0 : i32, i32, i32
  }
  func.func @transform_1(%arg0: i32) -> (i32, i32) {
    %c0_i32 = arith.constant 0 : i32
    %c0_i32_0 = arith.constant 0 : i32
    return %c0_i32, %arg0 : i32, i32
  }
}

</mosaic_0001>

<sc_bundles>
// kernel: kernel.5.cloned.1.call-start
scs
__scs_entry_jumppad:
0x0: {  	(pc) =	sbr.rel $0x88, $3  }
0x1: {  	(tag) =	ssettag $0x0;
	lr =	simm.s32 $0x1  }
0x2: {  	[smem:$0x3F9E] =	sst lr;
	_ =	strace $0xD0000000  }
0x3: {  	_ = 	snop  }
0x4: {  	_ = 	snop  }
0x5: {  	_ = 	snop  }
0x6: {  	_ = 	snop  }
0x7: {  	_ = 	snop  }
__scs_overlays_trampoline_lowered:
0x8: {  	[smem:$0x3FAD] =	sst s0  }
0x9: {  	[smem:$0x3FAE] =	sst s1  }
0xa: {  	[smem:$0x3FAF] =	sst s2  }
0xb: {  	[smem:$0x3FB0] =	sst s3  }
0xc: {  	[smem:$0x3FB1] =	sst s4  }
0xd: {  	[smem:$0x3FB2] =	sst s5  }
0xe: {  	[smem:$0x3FB3] =	sst s6  }
0xf: {  	[smem:$0x3FB4] =	sst s7  }
0x10: {  	[smem:$0x3FB5] =	sst s8  }
0x11: {  	[smem:$0x3FB6] =	sst s9;
	s0 =	simm.s32 @!p0 $0x0  }
0x12: {  	s1 =	sld [smem:$0x3F9C];
	s0 =	simm.s32 @p0 $0x1  }
0x13: {  	[smem:$0x3FB7] =	sst s0;
	s0 =	simm.s32 @!p1 $0x0  }
0x14: {  	s2 =	sld [smem:$0x3F9B];
	s0 =	simm.s32 @p1 $0x1  }
0x15: {  	[smem:$0x3FB8] =	sst s0;
	s0 =	simm.s32 @!p2 $0x0  }
0x16: {  	s3 =	sld [smem:$0x3FDB];
	s0 =	simm.s32 @p2 $0x1  }
0x17: {  	s4 =	simm.s32 $0x1BF5;
	[smem:$0x3FBA] =	sst s0  }
0x18: {  	s0 =	sld [smem:$0x3F9D];
	_ =	swait.ge [sflag:s4], $0x0  }
0x19: {  	s7 =	sld [smem:$0x3F9E]  }
0x1a: {  	s8 =	sadd.s32 $0xFFFFE003, lr  }
0x1b: {  	s9 =	sadd.s32 $0xFFFFFEF7, lr;
	s5 =	simm.s32 $0xFFFFFFFF;
	p2 =	slt.u32 s8, $0xFFFFF086  }
0x1c: {  	p1 =	slt.u32 s9, $0xF7A;
	s5 =	simm.s32 @!p2 $0x0  }
0x1d: {  	s5 =	simm.s32 @p1 $0x1;
	p0 =	seq.s32 s7, s2  }
0x1e: {  	s7 =	smul.u32 @!p0 $0xF7A, s2;
	p2 =	seq.s32 @!p0 s5, $0x0  }
0x1f: {  	s9 =	smul.u32 $0xF7A, s1;
	s8 =	simm.s32 @!p0 $0x1BF5;
	p2 =	por !p2, p0  }
0x20: {  	[sflag:s8] =	ssyncset.s32 @!p0 $0xFFFFF086;
	s6 =	sadd.s32 @!p0 s3, s7;
	s7 =	simm.s32 @!p0 $0x108  }
0x21: {  	s3 =	sadd.s32 s3, s9;
	s6 =	sadd.s32 @!p0 $0x88, s6;
	s7 =	simm.s32 @p2 $0x1082  }
0x22: {  	[simem:s7], [sflag:s8] =	dma.local @!p0 [hbm:s6], $0xF7A  }
0x23: {  	s9 =	sor.u32 $0xD0000000, s2;
	s6 =	simm.s32 $0x108;
	_ =	swait.ge @!p0 [sflag:s8], $0x0  }
0x24: {  	s3 =	sadd.s32 $0x88, s3;
	s6 =	simm.s32 @!p1 $0x1082;
	[sflag:s4] =	ssyncset.s32 $0xFFFFF086  }
0x25: {  	[simem:s6], [sflag:s4] =	dma.local [hbm:s3], $0xF7A  }
0x26: {  	[smem:$0x3F9E] =	sst s1;
	(tag) =	ssettag s2;
	_ =	strace s9  }
0x27: {  	s1 =	sld [smem:$0x3FAE]  }
0x28: {  	s2 =	sld [smem:$0x3FAF]  }
0x29: {  	s4 =	sld [smem:$0x3FB1]  }
0x2a: {  	p0 =	seq.s32 s5, $0x0;
	s5 =	sld [smem:$0x3FB2]  }
0x2b: {  	s6 =	sld [smem:$0x3FB3]  }
0x2c: {  	s7 =	sld [smem:$0x3FB4]  }
0x2d: {  	s3 =	simm.s32 $0x108;
	s8 =	sld [smem:$0x3FB5]  }
0x2e: {  	s3 =	simm.s32 @!p0 $0x1082;
	s9 =	sld [smem:$0x3FB6]  }
0x2f: {  	lr =	sadd.s32 s0, s3;
	s0 =	sld [smem:$0x3FAD]  }
0x30: {  	s3 =	sld [smem:$0x3FB0]  }
0x31: {  	[smem:$0x3FB9] =	sst s10  }
0x32: {  	s10 =	sld [smem:$0x3FB7];
	_ =	sdelay $0x3  }
0x33: {  	p0 =	seq.s32 s10, $0x1;
	s10 =	sld [smem:$0x3FB9];
	_ =	sdelay $0x3  }
0x34: {  	[smem:$0x3FB9] =	sst s10  }
0x35: {  	s10 =	sld [smem:$0x3FB8];
	_ =	sdelay $0x3  }
0x36: {  	p1 =	seq.s32 s10, $0x1;
	s10 =	sld [smem:$0x3FB9];
	_ =	sdelay $0x3  }
0x37: {  	[smem:$0x3FB9] =	sst s10  }
0x38: {  	s10 =	sld [smem:$0x3FBA]  }
0x39: {  	_ = 	snop;
	(pc) =	sbr.ind lr, $3  }
0x3a: {  	_ = 	snop  }
0x3b: {  	_ = 	snop  }
0x3c: {  	p2 =	seq.s32 s10, $0x1;
	s10 =	sld [smem:$0x3FB9]  }
0x3d: {  	_ =	shalt  }
0x3e: {  	_ =	shalt  }
0x3f: {  	_ =	shalt  }
0x40: {  	_ =	shalt  }
0x41: {  	_ =	shalt  }
0x42: {  	_ =	shalt  }
0x43: {  	_ =	shalt  }
0x44: {  	_ =	shalt  }
0x45: {  	_ =	shalt  }
0x46: {  	_ =	shalt  }
0x47: {  	_ =	shalt  }
0x48: {  	_ =	shalt  }
0x49: {  	_ =	shalt  }
0x4a: {  	_ =	shalt  }
0x4b: {  	_ =	shalt  }
0x4c: {  	_ =	shalt  }
0x4d: {  	_ =	shalt  }
0x4e: {  	_ =	shalt  }
0x4f: {  	_ =	shalt  }
0x50: {  	_ =	shalt  }
0x51: {  	_ =	shalt  }
0x52: {  	_ =	shalt  }
0x53: {  	_ =	shalt  }
0x54: {  	_ =	shalt  }
0x55: {  	_ =	shalt  }
0x56: {  	_ =	shalt  }
0x57: {  	_ =	shalt  }
0x58: {  	_ =	shalt  }
0x59: {  	_ =	shalt  }
0x5a: {  	_ =	shalt  }
0x5b: {  	_ =	shalt  }
0x5c: {  	_ =	shalt  }
0x5d: {  	_ =	shalt  }
0x5e: {  	_ =	shalt  }
0x5f: {  	_ =	shalt  }
0x60: {  	_ =	shalt  }
0x61: {  	_ =	shalt  }
0x62: {  	_ =	shalt  }
0x63: {  	_ =	shalt  }
0x64: {  	_ =	shalt  }
0x65: {  	_ =	shalt  }
0x66: {  	_ =	shalt  }
0x67: {  	_ =	shalt  }
0x68: {  	_ =	shalt  }
0x69: {  	_ =	shalt  }
0x6a: {  	_ =	shalt  }
0x6b: {  	_ =	shalt  }
0x6c: {  	_ =	shalt  }
0x6d: {  	_ =	shalt  }
0x6e: {  	_ =	shalt  }
0x6f: {  	_ =	shalt  }
0x70: {  	_ =	shalt  }
0x71: {  	_ =	shalt  }
0x72: {  	_ =	shalt  }
0x73: {  	_ =	shalt  }
0x74: {  	_ =	shalt  }
0x75: {  	_ =	shalt  }
0x76: {  	_ =	shalt  }
0x77: {  	_ =	shalt  }
0x78: {  	_ =	shalt  }
0x79: {  	_ =	shalt  }
0x7a: {  	_ =	shalt  }
0x7b: {  	_ =	shalt  }
0x7c: {  	_ =	shalt  }
0x7d: {  	_ =	shalt  }
0x7e: {  	_ =	shalt  }
0x7f: {  	_ =	shalt  }
0x80: {  	_ =	shalt  }
0x81: {  	_ =	shalt  }
0x82: {  	_ =	shalt  }
0x83: {  	_ =	shalt  }
0x84: {  	_ =	shalt  }
0x85: {  	_ =	shalt  }
0x86: {  	_ =	shalt  }
0x87: {  	_ =	shalt  }
.Lfunc_end0:
.L_simem_size_0:
called_computation.1_lowered:
.L_overlay_start_0:
0x88: {  	s2 =	sld [smem:$0x3FD9]  }
0x89: {  	s3 =	sld [smem:$0x3FFE];
	_ =	sdelay $0x1  }
0x8a: {  	s1 =	srdreg.scid  }
0x8b: {  	s0 =	sand.u32 $0x1, s1  }
0x8c: {  	s17 =	sshll.u32 s0, $0xA;
	s2 =	sadd.s32 s3, s2  }
0x8d: {  	s2 =	sadd.s32 s2, s17  }
0x8e: {  	[smem:$0x3FC5] =	sst s2  }
0x8f: {  	_ = 	snop  }
0x90: {  	s2 =	sld [smem:$0x3FD0];
	(tm) =	ssettm $0x1  }
0x91: {  	s18 =	sld [smem:$0x3FFB];
	_ =	sdelay $0x3  }
0x92: {  	_ =	strace s18  }
0x93: {  	s3 =	sld [smem:$0x3FFC];
	_ =	sdelay $0x3  }
0x94: {  	_ =	strace s3  }
0x95: {  	s3 =	sld [smem:$0x3FFD];
	_ =	sdelay $0x3  }
0x96: {  	_ =	strace s3  }
0x97: {  	_ =	strace $0x8FFFFFFF  }
0x98: {  	s19 =	sld [smem:$0x3FDB];
	_ =	sdelay $0x1  }
0x99: {  	s4 =	simm.s32 $_scs_section_size  }
0x9a: {  	s5 =	simm.s32 $_size__tile_overlayer_lowered;
	s6 =	simm.s32 $_tile_overlayer_lowered  }
0x9b: {  	s22 =	simm.s32 $0x1BFF;
	s21 =	sshll.u32 s6, $0x1;
	s3 =	sadd.s32 s4, s19  }
0x9c: {  	s7 =	simm.s32 $0x0;
	s20 =	sshll.u32 s5, $0x1;
	s5 =	sadd.s32 s21, s3  }
0x9d: {  	[timem:s7], [sflag:s22] =	dma.local [hbm:s5], s20  }
0x9e: {  	_ =	swait.ge [sflag:s22], s20  }
0x9f: {  	s4 =	ssub.s32 $0x0, s20;
	[sflag:s22] =	ssyncset.done $0x0  }
0xa0: {  	[sflag:s22] =	ssyncadd.s32 s4;
	_ =	sdelay $0x1  }
0xa1: {  	s23 =	simm.s32 $0x1B8B  }
0xa2: {  	_ =	swait.ge [sflag:s23], $0x1  }
0xa3: {  	[sflag:s23] =	ssyncset.done $0x0  }
0xa4: {  	s25 =	simm.s32 $0x1B8E;
	s24 =	sld [smem:$0x3FFE];
	[sflag:s23] =	ssyncadd.s32 $0xFFFFFFFF  }
0xa5: {  	s26 =	simm.s32 $execute0_lowered;
	[smem:$0x3FD2] =	sst s25  }
0xa6: {  	s5 =	sshll.u32 s26, $0x1;
	_ =	strace $0x80000046;
	[dreg:$0x1] =	wrdreg $0xFFFFFFFF  }
0xa7: {  	s28 =	simm.s32 $_size_execute0_lowered;
	s3 =	sadd.s32 s3, s5;
	[dreg:$0x0] =	wrdreg $0x0  }
0xa8: {  	s5 =	sshll.u32 s28, $0x1;
	[dreg:$0x2] =	wrdreg s3  }
0xa9: {  	[dreg:$0x3] =	wrdreg s5  }
0xaa: {  	[dreg:$0x4] =	wrdreg $0xC0  }
0xab: {  	_ =	task [dreg:s7], $0x5FFFF  }
0xac: {  	[dreg:$0x1] =	wrdreg $0xFFFFFFFF  }
0xad: {  	[dreg:$0x0] =	wrdreg $0x60  }
0xae: {  	[dreg:$0x2] =	wrdreg s24  }
0xaf: {  	[dreg:$0x3] =	wrdreg s2  }
0xb0: {  	[dreg:$0x4] =	wrdreg $0x9  }
0xb1: {  	_ =	task.clear_ibuf [dreg:s7], $0x5FFFF;
	_ =	strace $0x90000046  }
0xb2: {  	s29 =	simm.s32 $0x9;
	_ =	strace $0x80000048  }
0xb3: {  	_ =	swait.ge [sflag:s29], $0x1  }
0xb4: {  	[sflag:s29] =	ssyncadd.s32 $0xFFFFFFFF  }
0xb5: {  	_ =	strace $0x90000048  }
0xb6: {  	_ =	sfence  }
0xb7: {  	s30 =	sld [smem:$0x0];
	_ =	sdelay $0x2  }
0xb8: {  	s31 =	sshll.u32 s1, $0xD;
	s1 =	sshrl.u32 s1, $0x2  }
0xb9: {  	s3 =	sand.u32 $0x4000, s31;
	s1 =	sadd.s32 s1, s30  }
0xba: {  	s0 =	sor.u32 s3, s0;
	s1 =	sshll.u32 s1, $0x11  }
0xbb: {  	s0 =	sor.u32 s1, s0  }
0xbc: {  	s0 =	sadd.s32 $0x8F2B, s0  }
0xbd: {  	[sflag:s0] =	ssyncadd.remote.s32 $0x1  }
0xbe: {  	_ =	sfence.sel $0xFFFF  }
0xbf: {  	[dreg:$0x0] =	wrdreg $0xFFFFFFFF;
	(pc) =	sbr.abs _section_cstart, $3  }
0xc0: {  	[dreg:$0x1] =	wrdreg $0xFFFFFFFF  }
0xc1: {  	_ =	task.clear_ibuf [dreg:s7], $0x2FFFF;
	_ =	strace $0x9FFFFFFF  }
0xc2: {  	(tm) =	ssettm $0x7FFFFFFF  }
0xc3: {  	_ =	shalt  }
tec
execute0_lowered:
.L_overlay_start_1:
0x0: {  	(tag) =	ssettag $0x1  }
0x1: {  	s8 =	rddreg [dreg:$0x0]  }
0x2: {  	s1 =	rddreg [dreg:$0x1]  }
0x3: {  	s0 =	rddreg [dreg:$0x2]  }
0x4: {  	s3 =	simm.s32 $0x0;
	s4 =	srdreg.scid;
	s2 =	stileid.u32  }
0x5: {  	s11 =	simm.s32 $0x1400;
	s12 =	simm.s32 $0x2;
	s13 =	simm.s32 $0xFFFFFFFF  }
0x6: {  	s14 =	simm.s32 $0x3C00;
	s15 =	simm.s32 $0x1;
	s16 =	simm.s32 $0x0  }
0x7: {  	[smem:$0x7FF] =	sst s3;
	s6 =	sand.u32 $0x1, s4;
	s4 =	sadd.s32 $0x2E00, s8  }
0x8: {  	s7 =	sshll.u32 s2, $0x1;
	s5 =	sadd.s32 $0x7D400, s8;
	s9 =	ssub.s32 $0x2, s6  }
0x9: {  	_ =	strace $0x80000047;
	s6 =	sor.u32 s6, s7;
	s10 =	sshrl.u32 s9, $0x1  }
0xa: {  	s7 =	sadd.s32 $0x7D000, s8;
	s31 =	ssub.s32 $0x32D, s6;
	s10 =	ssub.s32 s9, s10  }
0xb: {  	s8 =	sadd.s32 $0x2A00, s8;
	s9 =	sshrl.u32 s31, $0x5;
	s10 =	smax.u32 s10, $0x1  }
.LBB2_1:
0xc: {  	s17 =	simm.s32 $0x0  }
.LBB2_2:
0xd: {  	s18 =	sshll.u32 s17, $0x5  }
0xe: {  	s18 =	sor.u32 s6, s18  }
0xf: {  	p0 =	sgt.s32 s18, $0x30C  }
0x10: {  	s19 =	simm.s32 @p0 $0x0  }
0x11: {  	[tilespmem:s19], [sflag:$0x2] =	stream.linear.gather @p0 [hbm4b:s7+s19], $0x1400, $0x38;
	[tilespmem:$0x8C00] =	vst v63  }
0x12: {  	s20 =	smul.u32 @!p0 $0x1400, s18;
	s19 =	simm.s32 @p0 $0x2  }
0x13: {  	_ =	swait.ge @p0 [sflag:s19], $0x1400  }
0x14: {  	s20 =	sshrl.u32 @!p0 s20, $0x3;
	[sflag:s19] =	ssyncset.done @p0 $0x0  }
0x15: {  	s21 =	simm.s32 @!p0 $0x0;
	[sflag:s19] =	ssyncadd.s32 @p0 $0xFFFFEC00;
	s19 =	sadd.s32 @!p0 s4, s20  }
0x16: {  	[tilespmem:s21], [sflag:$0x2] =	stream.linear.gather @!p0 [hbm4b:s19+s21], $0x1400, $0x38;
	[tilespmem:$0x8C00] =	vst v63  }
0x17: {  	s19 =	simm.s32 @!p0 $0x2  }
0x18: {  	_ =	swait.ge @!p0 [sflag:s19], $0x1400  }
0x19: {  	s20 =	sadd.s32 @!p0 s5, s20;
	[sflag:s19] =	ssyncset.done @!p0 $0x0  }
0x1a: {  	s28 =	simm.s32 $0x0;
	s20 =	smov.u32 @p0 s8;
	[sflag:s19] =	ssyncadd.s32 @!p0 $0xFFFFEC00  }
0x1b: {  	[tilespmem:s11], [sflag:$0x2] =	stream.linear.gather [hbm4b:s20+s28], $0x1400, $0x38;
	[tilespmem:$0x8C00] =	vst v63  }
0x1c: {  	_ =	swait.ge [sflag:s12], $0x1400  }
0x1d: {  	[sflag:s12] =	ssyncset.done $0x0  }
0x1e: {  	s29 =	simm.s32 $0x100;
	[sflag:s12] =	ssyncadd.s32 $0xFFFFEC00  }
0x1f: {  	v0 =	vld [tilespmem:s29+$0xFFFFFF00];
	_ =	sdelay $0x1  }
0x20: {  	s30 =	simm.s32 $0xFFFFFFFF  }
0x21: {  	s19 =	sxor.u32 $0xFFFFFFFF, s30  }
0x22: {  	s31 =	sshll.u32 s19, $0x2  }
0x23: {  	s19 =	simm.s32 $0x2900;
	v0 =	vadd.s32 s31, v0  }
0x24: {  	[tilespmem:s19+$0xFFFFFF00] =	vst v0  }
0x25: {  	v0 =	vld [tilespmem:s29+$0xFFFFFF80];
	_ =	sdelay $0x4  }
0x26: {  	v0 =	vadd.s32 s31, v0  }
0x27: {  	[tilespmem:s19+$0xFFFFFF80] =	vst v0  }
0x28: {  	v0 =	vld [tilespmem:s29+$0x0];
	_ =	sdelay $0x4  }
0x29: {  	v0 =	vadd.s32 s31, v0  }
0x2a: {  	[tilespmem:s19+$0x0] =	vst v0  }
0x2b: {  	v0 =	vld [tilespmem:s29+$0x80];
	_ =	sdelay $0x4  }
0x2c: {  	v0 =	vadd.s32 s31, v0  }
0x2d: {  	[tilespmem:s19+$0x80] =	vst v0  }
0x2e: {  	v0 =	vld [tilespmem:s29+$0xFFFFFF10];
	_ =	sdelay $0x4  }
0x2f: {  	v0 =	vadd.s32 s31, v0  }
0x30: {  	[tilespmem:s19+$0xFFFFFF10] =	vst v0  }
0x31: {  	v0 =	vld [tilespmem:s29+$0xFFFFFF90];
	_ =	sdelay $0x4  }
0x32: {  	v0 =	vadd.s32 s31, v0  }
0x33: {  	[tilespmem:s19+$0xFFFFFF90] =	vst v0  }
0x34: {  	v0 =	vld [tilespmem:s29+$0x10];
	_ =	sdelay $0x4  }
0x35: {  	v0 =	vadd.s32 s31, v0  }
0x36: {  	[tilespmem:s19+$0x10] =	vst v0  }
0x37: {  	v0 =	vld [tilespmem:s29+$0x90];
	_ =	sdelay $0x4  }
0x38: {  	v0 =	vadd.s32 s31, v0  }
0x39: {  	[tilespmem:s19+$0x90] =	vst v0  }
0x3a: {  	v0 =	vld [tilespmem:s29+$0xFFFFFF20];
	_ =	sdelay $0x4  }
0x3b: {  	v0 =	vadd.s32 s31, v0  }
0x3c: {  	[tilespmem:s19+$0xFFFFFF20] =	vst v0  }
0x3d: {  	v0 =	vld [tilespmem:s29+$0xFFFFFFA0];
	_ =	sdelay $0x4  }
0x3e: {  	v0 =	vadd.s32 s31, v0  }
0x3f: {  	[tilespmem:s19+$0xFFFFFFA0] =	vst v0  }
0x40: {  	v0 =	vld [tilespmem:s29+$0x20];
	_ =	sdelay $0x4  }
0x41: {  	v0 =	vadd.s32 s31, v0  }
0x42: {  	[tilespmem:s19+$0x20] =	vst v0  }
0x43: {  	v0 =	vld [tilespmem:s29+$0xA0];
	_ =	sdelay $0x4  }
0x44: {  	v0 =	vadd.s32 s31, v0  }
0x45: {  	[tilespmem:s19+$0xA0] =	vst v0  }
0x46: {  	v0 =	vld [tilespmem:s29+$0xFFFFFF30];
	_ =	sdelay $0x4  }
0x47: {  	v0 =	vadd.s32 s31, v0  }
0x48: {  	[tilespmem:s19+$0xFFFFFF30] =	vst v0  }
0x49: {  	v0 =	vld [tilespmem:s29+$0xFFFFFFB0];
	_ =	sdelay $0x4  }
0x4a: {  	v0 =	vadd.s32 s31, v0  }
0x4b: {  	[tilespmem:s19+$0xFFFFFFB0] =	vst v0  }
0x4c: {  	v0 =	vld [tilespmem:s29+$0x30];
	_ =	sdelay $0x4  }
0x4d: {  	v0 =	vadd.s32 s31, v0  }
0x4e: {  	[tilespmem:s19+$0x30] =	vst v0  }
0x4f: {  	v0 =	vld [tilespmem:s29+$0xB0];
	_ =	sdelay $0x4  }
0x50: {  	v0 =	vadd.s32 s31, v0  }
0x51: {  	[tilespmem:s19+$0xB0] =	vst v0  }
0x52: {  	v0 =	vld [tilespmem:s29+$0xFFFFFF40];
	_ =	sdelay $0x4  }
0x53: {  	v0 =	vadd.s32 s31, v0  }
0x54: {  	[tilespmem:s19+$0xFFFFFF40] =	vst v0  }
0x55: {  	v0 =	vld [tilespmem:s29+$0xFFFFFFC0];
	_ =	sdelay $0x4  }
0x56: {  	v0 =	vadd.s32 s31, v0  }
0x57: {  	[tilespmem:s19+$0xFFFFFFC0] =	vst v0  }
0x58: {  	v0 =	vld [tilespmem:s29+$0x40];
	_ =	sdelay $0x4  }
0x59: {  	v0 =	vadd.s32 s31, v0  }
0x5a: {  	[tilespmem:s19+$0x40] =	vst v0  }
0x5b: {  	v0 =	vld [tilespmem:s29+$0xC0];
	_ =	sdelay $0x4  }
0x5c: {  	v0 =	vadd.s32 s31, v0  }
0x5d: {  	[tilespmem:s19+$0xC0] =	vst v0  }
0x5e: {  	v0 =	vld [tilespmem:s29+$0xFFFFFF50];
	_ =	sdelay $0x4  }
0x5f: {  	v0 =	vadd.s32 s31, v0  }
0x60: {  	[tilespmem:s19+$0xFFFFFF50] =	vst v0  }
0x61: {  	v0 =	vld [tilespmem:s29+$0xFFFFFFD0];
	_ =	sdelay $0x4  }
0x62: {  	v0 =	vadd.s32 s31, v0  }
0x63: {  	[tilespmem:s19+$0xFFFFFFD0] =	vst v0  }
0x64: {  	v0 =	vld [tilespmem:s29+$0x50];
	_ =	sdelay $0x4  }
0x65: {  	v0 =	vadd.s32 s31, v0  }
0x66: {  	[tilespmem:s19+$0x50] =	vst v0  }
0x67: {  	v0 =	vld [tilespmem:s29+$0xD0];
	_ =	sdelay $0x4  }
0x68: {  	v0 =	vadd.s32 s31, v0  }
0x69: {  	[tilespmem:s19+$0xD0] =	vst v0  }
0x6a: {  	v0 =	vld [tilespmem:s29+$0xFFFFFF60];
	_ =	sdelay $0x4  }
0x6b: {  	v0 =	vadd.s32 s31, v0  }
0x6c: {  	[tilespmem:s19+$0xFFFFFF60] =	vst v0  }
0x6d: {  	v0 =	vld [tilespmem:s29+$0xFFFFFFE0];
	_ =	sdelay $0x4  }
0x6e: {  	v0 =	vadd.s32 s31, v0  }
0x6f: {  	[tilespmem:s19+$0xFFFFFFE0] =	vst v0  }
0x70: {  	v0 =	vld [tilespmem:s29+$0x60];
	_ =	sdelay $0x4  }
0x71: {  	v0 =	vadd.s32 s31, v0  }
0x72: {  	[tilespmem:s19+$0x60] =	vst v0  }
0x73: {  	v0 =	vld [tilespmem:s29+$0xE0];
	_ =	sdelay $0x4  }
0x74: {  	v0 =	vadd.s32 s31, v0  }
0x75: {  	[tilespmem:s19+$0xE0] =	vst v0  }
0x76: {  	v0 =	vld [tilespmem:s29+$0xFFFFFF70];
	_ =	sdelay $0x4  }
0x77: {  	v0 =	vadd.s32 s31, v0  }
0x78: {  	[tilespmem:s19+$0xFFFFFF70] =	vst v0  }
0x79: {  	v0 =	vld [tilespmem:s29+$0xFFFFFFF0];
	_ =	sdelay $0x4  }
0x7a: {  	v0 =	vadd.s32 s31, v0  }
0x7b: {  	[tilespmem:s19+$0xFFFFFFF0] =	vst v0  }
0x7c: {  	v0 =	vld [tilespmem:s29+$0x70];
	_ =	sdelay $0x4  }
0x7d: {  	v0 =	vadd.s32 s31, v0  }
0x7e: {  	[tilespmem:s19+$0x70] =	vst v0  }
0x7f: {  	v0 =	vld [tilespmem:s29+$0xF0];
	_ =	sdelay $0x4  }
0x80: {  	v0 =	vadd.s32 s31, v0  }
0x81: {  	s20 =	simm.s32 $0x300;
	[tilespmem:s19+$0xF0] =	vst v0  }
0x82: {  	s22 =	simm.s32 $0x4;
	s21 =	simm.s32 $0x2;
	v0 =	vld [tilespmem:s20+$0xFFFFFF00]  }
.LBB2_3:
0x83: {  	p1 =	sne.s32 s22, $0x12  }
0x84: {  	s23 =	sshll.u32 s13, s21;
	s21 =	smov.u32 s22  }
0x85: {  	s23 =	sxor.u32 $0xFFFFFFFF, s23  }
0x86: {  	s23 =	sshll.u32 s23, $0x2  }
0x87: {  	s19 =	sadd.s32 $0x200, s19;
	v0 =	vadd.s32 s23, v0  }
0x88: {  	[tilespmem:s19+$0xFFFFFF00] =	vst v0  }
0x89: {  	v0 =	vld [tilespmem:s20+$0xFFFFFF80];
	_ =	sdelay $0x4  }
0x8a: {  	v0 =	vadd.s32 s23, v0  }
0x8b: {  	[tilespmem:s19+$0xFFFFFF80] =	vst v0  }
0x8c: {  	v0 =	vld [tilespmem:s20+$0x0];
	_ =	sdelay $0x4  }
0x8d: {  	v0 =	vadd.s32 s23, v0  }
0x8e: {  	[tilespmem:s19+$0x0] =	vst v0  }
0x8f: {  	v0 =	vld [tilespmem:s20+$0x80];
	_ =	sdelay $0x4  }
0x90: {  	v0 =	vadd.s32 s23, v0  }
0x91: {  	[tilespmem:s19+$0x80] =	vst v0  }
0x92: {  	v0 =	vld [tilespmem:s20+$0xFFFFFF10];
	_ =	sdelay $0x4  }
0x93: {  	v0 =	vadd.s32 s23, v0  }
0x94: {  	[tilespmem:s19+$0xFFFFFF10] =	vst v0  }
0x95: {  	v0 =	vld [tilespmem:s20+$0xFFFFFF90];
	_ =	sdelay $0x4  }
0x96: {  	v0 =	vadd.s32 s23, v0  }
0x97: {  	[tilespmem:s19+$0xFFFFFF90] =	vst v0  }
0x98: {  	v0 =	vld [tilespmem:s20+$0x10];
	_ =	sdelay $0x4  }
0x99: {  	v0 =	vadd.s32 s23, v0  }
0x9a: {  	[tilespmem:s19+$0x10] =	vst v0  }
0x9b: {  	v0 =	vld [tilespmem:s20+$0x90];
	_ =	sdelay $0x4  }
0x9c: {  	v0 =	vadd.s32 s23, v0  }
0x9d: {  	[tilespmem:s19+$0x90] =	vst v0  }
0x9e: {  	v0 =	vld [tilespmem:s20+$0xFFFFFF20];
	_ =	sdelay $0x4  }
0x9f: {  	v0 =	vadd.s32 s23, v0  }
0xa0: {  	[tilespmem:s19+$0xFFFFFF20] =	vst v0  }
0xa1: {  	v0 =	vld [tilespmem:s20+$0xFFFFFFA0];
	_ =	sdelay $0x4  }
0xa2: {  	v0 =	vadd.s32 s23, v0  }
0xa3: {  	[tilespmem:s19+$0xFFFFFFA0] =	vst v0  }
0xa4: {  	v0 =	vld [tilespmem:s20+$0x20];
	_ =	sdelay $0x4  }
0xa5: {  	v0 =	vadd.s32 s23, v0  }
0xa6: {  	[tilespmem:s19+$0x20] =	vst v0  }
0xa7: {  	v0 =	vld [tilespmem:s20+$0xA0];
	_ =	sdelay $0x4  }
0xa8: {  	v0 =	vadd.s32 s23, v0  }
0xa9: {  	[tilespmem:s19+$0xA0] =	vst v0  }
0xaa: {  	v0 =	vld [tilespmem:s20+$0xFFFFFF30];
	_ =	sdelay $0x4  }
0xab: {  	v0 =	vadd.s32 s23, v0  }
0xac: {  	[tilespmem:s19+$0xFFFFFF30] =	vst v0  }
0xad: {  	v0 =	vld [tilespmem:s20+$0xFFFFFFB0];
	_ =	sdelay $0x4  }
0xae: {  	v0 =	vadd.s32 s23, v0  }
0xaf: {  	[tilespmem:s19+$0xFFFFFFB0] =	vst v0  }
0xb0: {  	v0 =	vld [tilespmem:s20+$0x30];
	_ =	sdelay $0x4  }
0xb1: {  	v0 =	vadd.s32 s23, v0  }
0xb2: {  	[tilespmem:s19+$0x30] =	vst v0  }
0xb3: {  	v0 =	vld [tilespmem:s20+$0xB0];
	_ =	sdelay $0x4  }
0xb4: {  	v0 =	vadd.s32 s23, v0  }
0xb5: {  	[tilespmem:s19+$0xB0] =	vst v0  }
0xb6: {  	v0 =	vld [tilespmem:s20+$0xFFFFFF40];
	_ =	sdelay $0x4  }
0xb7: {  	v0 =	vadd.s32 s23, v0  }
0xb8: {  	[tilespmem:s19+$0xFFFFFF40] =	vst v0  }
0xb9: {  	v0 =	vld [tilespmem:s20+$0xFFFFFFC0];
	_ =	sdelay $0x4  }
0xba: {  	v0 =	vadd.s32 s23, v0  }
0xbb: {  	[tilespmem:s19+$0xFFFFFFC0] =	vst v0  }
0xbc: {  	v0 =	vld [tilespmem:s20+$0x40];
	_ =	sdelay $0x4  }
0xbd: {  	v0 =	vadd.s32 s23, v0  }
0xbe: {  	[tilespmem:s19+$0x40] =	vst v0  }
0xbf: {  	v0 =	vld [tilespmem:s20+$0xC0];
	_ =	sdelay $0x4  }
0xc0: {  	v0 =	vadd.s32 s23, v0  }
0xc1: {  	[tilespmem:s19+$0xC0] =	vst v0  }
0xc2: {  	v0 =	vld [tilespmem:s20+$0xFFFFFF50];
	_ =	sdelay $0x4  }
0xc3: {  	v0 =	vadd.s32 s23, v0  }
0xc4: {  	[tilespmem:s19+$0xFFFFFF50] =	vst v0  }
0xc5: {  	v0 =	vld [tilespmem:s20+$0xFFFFFFD0];
	_ =	sdelay $0x4  }
0xc6: {  	v0 =	vadd.s32 s23, v0  }
0xc7: {  	[tilespmem:s19+$0xFFFFFFD0] =	vst v0  }
0xc8: {  	v0 =	vld [tilespmem:s20+$0x50];
	_ =	sdelay $0x4  }
0xc9: {  	v0 =	vadd.s32 s23, v0  }
0xca: {  	[tilespmem:s19+$0x50] =	vst v0  }
0xcb: {  	v0 =	vld [tilespmem:s20+$0xD0];
	_ =	sdelay $0x4  }
0xcc: {  	v0 =	vadd.s32 s23, v0  }
0xcd: {  	[tilespmem:s19+$0xD0] =	vst v0  }
0xce: {  	v0 =	vld [tilespmem:s20+$0xFFFFFF60];
	_ =	sdelay $0x4  }
0xcf: {  	v0 =	vadd.s32 s23, v0  }
0xd0: {  	[tilespmem:s19+$0xFFFFFF60] =	vst v0  }
0xd1: {  	v0 =	vld [tilespmem:s20+$0xFFFFFFE0];
	_ =	sdelay $0x4  }
0xd2: {  	v0 =	vadd.s32 s23, v0  }
0xd3: {  	[tilespmem:s19+$0xFFFFFFE0] =	vst v0  }
0xd4: {  	v0 =	vld [tilespmem:s20+$0x60];
	_ =	sdelay $0x4  }
0xd5: {  	v0 =	vadd.s32 s23, v0  }
0xd6: {  	[tilespmem:s19+$0x60] =	vst v0  }
0xd7: {  	v0 =	vld [tilespmem:s20+$0xE0];
	_ =	sdelay $0x4  }
0xd8: {  	v0 =	vadd.s32 s23, v0  }
0xd9: {  	[tilespmem:s19+$0xE0] =	vst v0  }
0xda: {  	v0 =	vld [tilespmem:s20+$0xFFFFFF70];
	_ =	sdelay $0x4  }
0xdb: {  	v0 =	vadd.s32 s23, v0  }
0xdc: {  	[tilespmem:s19+$0xFFFFFF70] =	vst v0  }
0xdd: {  	v0 =	vld [tilespmem:s20+$0xFFFFFFF0];
	_ =	sdelay $0x4  }
0xde: {  	v0 =	vadd.s32 s23, v0  }
0xdf: {  	[tilespmem:s19+$0xFFFFFFF0] =	vst v0  }
0xe0: {  	v0 =	vld [tilespmem:s20+$0x70];
	_ =	sdelay $0x4  }
0xe1: {  	v0 =	vadd.s32 s23, v0  }
0xe2: {  	[tilespmem:s19+$0x70] =	vst v0  }
0xe3: {  	v0 =	vld [tilespmem:s20+$0xF0];
	_ =	sdelay $0x2  }
.Ltmp0:
0xe4: {  	(pc) =	sbr.rel @p1 .LBB2_3-.Ltmp0, $4  }
0xe5: {  	_ = 	snop  }
0xe6: {  	v0 =	vadd.s32 s23, v0  }
0xe7: {  	s20 =	sadd.s32 $0x200, s20;
	[tilespmem:s19+$0xF0] =	vst v0  }
0xe8: {  	s22 =	sadd.s32 $0x2, s22;
	v0 =	vld [tilespmem:s20+$0xFFFFFF00]  }
0xe9: {  	_ = 	snop  }
0xea: {  	s21 =	sshll.u32 s13, s21  }
0xeb: {  	s21 =	sxor.u32 $0xFFFFFFFF, s21  }
0xec: {  	s21 =	sshll.u32 s21, $0x2  }
0xed: {  	s19 =	sadd.s32 $0x200, s19;
	v0 =	vadd.s32 s21, v0  }
0xee: {  	[tilespmem:s19+$0xFFFFFF00] =	vst v0  }
0xef: {  	v0 =	vld [tilespmem:s20+$0xFFFFFF80];
	_ =	sdelay $0x4  }
0xf0: {  	v0 =	vadd.s32 s21, v0  }
0xf1: {  	[tilespmem:s19+$0xFFFFFF80] =	vst v0  }
0xf2: {  	v0 =	vld [tilespmem:s20+$0x0];
	_ =	sdelay $0x4  }
0xf3: {  	v0 =	vadd.s32 s21, v0  }
0xf4: {  	[tilespmem:s19+$0x0] =	vst v0  }
0xf5: {  	v0 =	vld [tilespmem:s20+$0x80];
	_ =	sdelay $0x4  }
0xf6: {  	v0 =	vadd.s32 s21, v0  }
0xf7: {  	[tilespmem:s19+$0x80] =	vst v0  }
0xf8: {  	v0 =	vld [tilespmem:s20+$0xFFFFFF10];
	_ =	sdelay $0x4  }
0xf9: {  	v0 =	vadd.s32 s21, v0  }
0xfa: {  	[tilespmem:s19+$0xFFFFFF10] =	vst v0  }
0xfb: {  	v0 =	vld [tilespmem:s20+$0xFFFFFF90];
	_ =	sdelay $0x4  }
0xfc: {  	v0 =	vadd.s32 s21, v0  }
0xfd: {  	[tilespmem:s19+$0xFFFFFF90] =	vst v0  }
0xfe: {  	v0 =	vld [tilespmem:s20+$0x10];
	_ =	sdelay $0x4  }
0xff: {  	v0 =	vadd.s32 s21, v0  }
0x100: {  	[tilespmem:s19+$0x10] =	vst v0  }
0x101: {  	v0 =	vld [tilespmem:s20+$0x90];
	_ =	sdelay $0x4  }
0x102: {  	v0 =	vadd.s32 s21, v0  }
0x103: {  	[tilespmem:s19+$0x90] =	vst v0  }
0x104: {  	v0 =	vld [tilespmem:s20+$0xFFFFFF20];
	_ =	sdelay $0x4  }
0x105: {  	v0 =	vadd.s32 s21, v0  }
0x106: {  	[tilespmem:s19+$0xFFFFFF20] =	vst v0  }
0x107: {  	v0 =	vld [tilespmem:s20+$0xFFFFFFA0];
	_ =	sdelay $0x4  }
0x108: {  	v0 =	vadd.s32 s21, v0  }
0x109: {  	[tilespmem:s19+$0xFFFFFFA0] =	vst v0  }
0x10a: {  	v0 =	vld [tilespmem:s20+$0x20];
	_ =	sdelay $0x4  }
0x10b: {  	v0 =	vadd.s32 s21, v0  }
0x10c: {  	[tilespmem:s19+$0x20] =	vst v0  }
0x10d: {  	v0 =	vld [tilespmem:s20+$0xA0];
	_ =	sdelay $0x4  }
0x10e: {  	v0 =	vadd.s32 s21, v0  }
0x10f: {  	[tilespmem:s19+$0xA0] =	vst v0  }
0x110: {  	v0 =	vld [tilespmem:s20+$0xFFFFFF30];
	_ =	sdelay $0x4  }
0x111: {  	v0 =	vadd.s32 s21, v0  }
0x112: {  	[tilespmem:s19+$0xFFFFFF30] =	vst v0  }
0x113: {  	v0 =	vld [tilespmem:s20+$0xFFFFFFB0];
	_ =	sdelay $0x4  }
0x114: {  	v0 =	vadd.s32 s21, v0  }
0x115: {  	[tilespmem:s19+$0xFFFFFFB0] =	vst v0  }
0x116: {  	v0 =	vld [tilespmem:s20+$0x30];
	_ =	sdelay $0x4  }
0x117: {  	v0 =	vadd.s32 s21, v0  }
0x118: {  	[tilespmem:s19+$0x30] =	vst v0  }
0x119: {  	v0 =	vld [tilespmem:s20+$0xB0];
	_ =	sdelay $0x4  }
0x11a: {  	v0 =	vadd.s32 s21, v0  }
0x11b: {  	[tilespmem:s19+$0xB0] =	vst v0  }
0x11c: {  	v0 =	vld [tilespmem:s20+$0xFFFFFF40];
	_ =	sdelay $0x4  }
0x11d: {  	v0 =	vadd.s32 s21, v0  }
0x11e: {  	[tilespmem:s19+$0xFFFFFF40] =	vst v0  }
0x11f: {  	v0 =	vld [tilespmem:s20+$0xFFFFFFC0];
	_ =	sdelay $0x4  }
0x120: {  	v0 =	vadd.s32 s21, v0  }
0x121: {  	[tilespmem:s19+$0xFFFFFFC0] =	vst v0  }
0x122: {  	v0 =	vld [tilespmem:s20+$0x40];
	_ =	sdelay $0x4  }
0x123: {  	v0 =	vadd.s32 s21, v0  }
0x124: {  	[tilespmem:s19+$0x40] =	vst v0  }
0x125: {  	v0 =	vld [tilespmem:s20+$0xC0];
	_ =	sdelay $0x4  }
0x126: {  	v0 =	vadd.s32 s21, v0  }
0x127: {  	[tilespmem:s19+$0xC0] =	vst v0  }
0x128: {  	v0 =	vld [tilespmem:s20+$0xFFFFFF50];
	_ =	sdelay $0x4  }
0x129: {  	v0 =	vadd.s32 s21, v0  }
0x12a: {  	[tilespmem:s19+$0xFFFFFF50] =	vst v0  }
0x12b: {  	v0 =	vld [tilespmem:s20+$0xFFFFFFD0];
	_ =	sdelay $0x4  }
0x12c: {  	v0 =	vadd.s32 s21, v0  }
0x12d: {  	[tilespmem:s19+$0xFFFFFFD0] =	vst v0  }
0x12e: {  	v0 =	vld [tilespmem:s20+$0x50];
	_ =	sdelay $0x4  }
0x12f: {  	v0 =	vadd.s32 s21, v0  }
0x130: {  	[tilespmem:s19+$0x50] =	vst v0  }
0x131: {  	v0 =	vld [tilespmem:s20+$0xD0];
	_ =	sdelay $0x4  }
0x132: {  	v0 =	vadd.s32 s21, v0  }
0x133: {  	[tilespmem:s19+$0xD0] =	vst v0  }
0x134: {  	v0 =	vld [tilespmem:s20+$0xFFFFFF60];
	_ =	sdelay $0x4  }
0x135: {  	v0 =	vadd.s32 s21, v0  }
0x136: {  	[tilespmem:s19+$0xFFFFFF60] =	vst v0  }
0x137: {  	v0 =	vld [tilespmem:s20+$0xFFFFFFE0];
	_ =	sdelay $0x4  }
0x138: {  	v0 =	vadd.s32 s21, v0  }
0x139: {  	[tilespmem:s19+$0xFFFFFFE0] =	vst v0  }
0x13a: {  	v0 =	vld [tilespmem:s20+$0x60];
	_ =	sdelay $0x4  }
0x13b: {  	v0 =	vadd.s32 s21, v0  }
0x13c: {  	[tilespmem:s19+$0x60] =	vst v0  }
0x13d: {  	v0 =	vld [tilespmem:s20+$0xE0];
	_ =	sdelay $0x4  }
0x13e: {  	v0 =	vadd.s32 s21, v0  }
0x13f: {  	[tilespmem:s19+$0xE0] =	vst v0  }
0x140: {  	v0 =	vld [tilespmem:s20+$0xFFFFFF70];
	_ =	sdelay $0x4  }
0x141: {  	v0 =	vadd.s32 s21, v0  }
0x142: {  	[tilespmem:s19+$0xFFFFFF70] =	vst v0  }
0x143: {  	v0 =	vld [tilespmem:s20+$0xFFFFFFF0];
	_ =	sdelay $0x4  }
0x144: {  	v0 =	vadd.s32 s21, v0  }
0x145: {  	[tilespmem:s19+$0xFFFFFFF0] =	vst v0  }
0x146: {  	v0 =	vld [tilespmem:s20+$0x70];
	_ =	sdelay $0x4  }
0x147: {  	v0 =	vadd.s32 s21, v0  }
0x148: {  	[tilespmem:s19+$0x70] =	vst v0  }
0x149: {  	v0 =	vld [tilespmem:s20+$0xF0];
	_ =	sdelay $0x1  }
0x14a: {  	s18 =	smul.u32 $0x5000, s18;
	_ =	sdelay $0x1  }
0x14b: {  	p1 =	seq.s32 s17, $0x0;
	s17 =	sadd.s32 $0x1, s17;
	s18 =	sshrl.u32 s18, $0x3  }
0x14c: {  	s18 =	simm.s32 @p0 $0x1E7A80;
	p0 =	sne.s32 s17, s9;
	v0 =	vadd.s32 s21, v0  }
.Ltmp1:
0x14d: {  	[tilespmem:s19+$0xF0] =	vst v0;
	s19 =	simm.s32 @!p1 $0x1;
	(pc) =	sbr.rel @p0 .LBB2_2-.Ltmp1, $4  }
0x14e: {  	_ =	swait.ge @!p1 [sflag:s19], $0x5000  }
0x14f: {  	[sflag:s19] =	ssyncset.done @!p1 $0x0  }
0x150: {  	s18 =	sadd.s32 s1, s18;
	[sflag:s19] =	ssyncadd.s32 @!p1 $0xFFFFB000  }
0x151: {  	[hbm4b:s18+s3] =	stream.linear.scatter [tilespmem:s14], [sflag:$0x1], $0x5000, $0x38;
	[tilespmem:$0x8C00] =	vst v63  }
0x152: {  	s16 =	sadd.s32 $0x1, s16  }
0x153: {  	p0 =	sne.s32 s16, s10  }
.Ltmp2:
0x154: {  	_ = 	snop;
	(pc) =	sbr.rel @p0 .LBB2_1-.Ltmp2, $4  }
0x155: {  	_ = 	snop  }
0x156: {  	_ =	swait.ge [sflag:s15], $0x5000  }
0x157: {  	[sflag:s15] =	ssyncset.done $0x0  }
0x158: {  	[sflag:s15] =	ssyncadd.s32 $0xFFFFB000  }
0x159: {  	_ =	sfence.sel $0x180000  }
0x15a: {  	[bflag:$0x0] =	sbarrier.arrive $0xFFFF  }
0x15b: {  	p0 =	sne.s32 s2, $0x0;
	_ =	strace $0x90000047  }
0x15c: {  	s0 =	sadd.s32 @!p0 $0x100000, s0;
	[bflag:$0x2] =	sbarrier.arrive $0xFFFF  }
0x15d: {  	[sflag:s0] =	ssyncadd.tile.s32 @!p0 $0x1;
	_ =	shalt  }
.Lfunc_end2:
_tile_overlayer_lowered:
.L_overlay_start_2:
0x15e: {  	(tag) =	ssettag $0x2  }
0x15f: {  	s0 =	rddreg [dreg:$0x0];
	s2 =	stileid.u32  }
0x160: {  	s1 =	rddreg [dreg:$0x1];
	p0 =	sne.s32 s2, $0x0  }
0x161: {  	s3 =	rddreg [dreg:$0x2];
	[bflag:$0x3] =	sbarrier.arrive $0xFFFF;
	s2 =	simm.s32 @!p0 $0x1C02  }
0x162: {  	[timem:s3], [sflag:s2] =	dma.local @!p0 [hbm:s0], s1  }
0x163: {  	s0 =	simm.s32 @!p0 $0x2  }
0x164: {  	_ =	swait.ge @!p0 [sflag:s0], s1  }
0x165: {  	s1 =	ssub.s32 @!p0 $0x0, s1;
	[sflag:s0] =	ssyncset.done @!p0 $0x0  }
0x166: {  	[sflag:s0] =	ssyncadd.s32 @!p0 s1  }
0x167: {  	[bflag:$0x3] =	sbarrier.arrive $0xFFFF  }
0x168: {  	_ =	shalt  }

// kernel: sparse-core-data-format-call.cloned.1.call-start
scs
called_computation_lowered:
.L_overlay_start_0:
0x0: {  	s2 =	sld [smem:$0x3FD9]  }
0x1: {  	s3 =	sld [smem:$0x3FFE];
	_ =	sdelay $0x1  }
0x2: {  	s1 =	srdreg.scid  }
0x3: {  	s0 =	sand.u32 $0x1, s1  }
0x4: {  	s18 =	sshll.u32 s0, $0xA;
	s2 =	sadd.s32 s3, s2  }
0x5: {  	s2 =	sadd.s32 s2, s18  }
0x6: {  	[smem:$0x3FC5] =	sst s2  }
0x7: {  	_ = 	snop  }
0x8: {  	s2 =	sld [smem:$0x3FD0];
	(tm) =	ssettm $0x1  }
0x9: {  	s19 =	sld [smem:$0x3FFB];
	_ =	sdelay $0x3  }
0xa: {  	_ =	strace s19  }
0xb: {  	s3 =	sld [smem:$0x3FFC];
	_ =	sdelay $0x3  }
0xc: {  	_ =	strace s3  }
0xd: {  	s3 =	sld [smem:$0x3FFD];
	_ =	sdelay $0x3  }
0xe: {  	_ =	strace s3  }
0xf: {  	_ =	strace $0x8FFFFFFF  }
0x10: {  	s20 =	sld [smem:$0x3FDB];
	_ =	sdelay $0x1  }
0x11: {  	s4 =	simm.s32 $_scs_section_size  }
0x12: {  	s5 =	simm.s32 $_size__tile_overlayer_lowered;
	s6 =	simm.s32 $_tile_overlayer_lowered  }
0x13: {  	s23 =	simm.s32 $0x1BFF;
	s22 =	sshll.u32 s6, $0x1;
	s3 =	sadd.s32 s4, s20  }
0x14: {  	s7 =	simm.s32 $0x0;
	s21 =	sshll.u32 s5, $0x1;
	s5 =	sadd.s32 s22, s3  }
0x15: {  	[timem:s7], [sflag:s23] =	dma.local [hbm:s5], s21  }
0x16: {  	_ =	swait.ge [sflag:s23], s21  }
0x17: {  	s4 =	ssub.s32 $0x0, s21;
	[sflag:s23] =	ssyncset.done $0x0  }
0x18: {  	[sflag:s23] =	ssyncadd.s32 s4;
	_ =	sdelay $0x1  }
0x19: {  	s24 =	simm.s32 $0x1B8B  }
0x1a: {  	_ =	swait.ge [sflag:s24], $0x1  }
0x1b: {  	[sflag:s24] =	ssyncset.done $0x0  }
0x1c: {  	s26 =	simm.s32 $0x1B8E;
	s25 =	sld [smem:$0x3FFE];
	[sflag:s24] =	ssyncadd.s32 $0xFFFFFFFF  }
0x1d: {  	s27 =	simm.s32 $execute0_lowered;
	[smem:$0x3FD2] =	sst s26  }
0x1e: {  	s5 =	sshll.u32 s27, $0x1;
	_ =	strace $0x80000049;
	[dreg:$0x1] =	wrdreg $0xFFFFFFFF  }
0x1f: {  	s28 =	simm.s32 $_size_execute0_lowered;
	s3 =	sadd.s32 s3, s5;
	[dreg:$0x0] =	wrdreg $0x0  }
0x20: {  	s5 =	sshll.u32 s28, $0x1;
	[dreg:$0x2] =	wrdreg s3  }
0x21: {  	[dreg:$0x3] =	wrdreg s5  }
0x22: {  	[dreg:$0x4] =	wrdreg $0xC0  }
0x23: {  	_ =	task [dreg:s7], $0x5FFFF  }
0x24: {  	[dreg:$0x1] =	wrdreg $0xFFFFFFFF  }
0x25: {  	[dreg:$0x0] =	wrdreg $0x60  }
0x26: {  	[dreg:$0x2] =	wrdreg s25  }
0x27: {  	[dreg:$0x3] =	wrdreg s2  }
0x28: {  	[dreg:$0x4] =	wrdreg $0x9  }
0x29: {  	_ =	task.clear_ibuf [dreg:s7], $0x5FFFF;
	_ =	strace $0x90000049  }
0x2a: {  	s29 =	simm.s32 $0x9;
	_ =	strace $0x8000004B  }
0x2b: {  	_ =	swait.ge [sflag:s29], $0x1  }
0x2c: {  	[sflag:s29] =	ssyncadd.s32 $0xFFFFFFFF  }
0x2d: {  	_ =	strace $0x9000004B  }
0x2e: {  	_ =	sfence  }
0x2f: {  	s30 =	sld [smem:$0x0];
	_ =	sdelay $0x2  }
0x30: {  	s31 =	sshll.u32 s1, $0xD;
	s1 =	sshrl.u32 s1, $0x2  }
0x31: {  	s3 =	sand.u32 $0x4000, s31;
	s1 =	sadd.s32 s1, s30  }
0x32: {  	s0 =	sor.u32 s3, s0;
	s1 =	sshll.u32 s1, $0x11  }
0x33: {  	s0 =	sor.u32 s1, s0  }
0x34: {  	s0 =	sadd.s32 $0x8F2B, s0  }
0x35: {  	[sflag:s0] =	ssyncadd.remote.s32 $0x1  }
0x36: {  	_ =	sfence.sel $0xFFFF  }
0x37: {  	[dreg:$0x0] =	wrdreg $0xFFFFFFFF;
	(pc) =	sbr.abs _section_cstart, $3  }
0x38: {  	[dreg:$0x1] =	wrdreg $0xFFFFFFFF  }
0x39: {  	_ =	task.clear_ibuf [dreg:s7], $0x2FFFF;
	_ =	strace $0x9FFFFFFF  }
0x3a: {  	(tm) =	ssettm $0x7FFFFFFF  }
0x3b: {  	_ =	shalt  }
tec
execute0_lowered:
.L_overlay_start_1:
0x0: {  	(tag) =	ssettag $0x1  }
0x1: {  	s3 =	rddreg [dreg:$0x0]  }
0x2: {  	s2 =	rddreg [dreg:$0x1]  }
0x3: {  	s0 =	rddreg [dreg:$0x2];
	_ =	strace $0x8000004A;
	s1 =	stileid.u32  }
0x4: {  	s5 =	srdreg.scid;
	s6 =	simm.s32 $0x1;
	s8 =	simm.s32 $0x2  }
0x5: {  	s15 =	simm.s32 $0x0;
	s10 =	simm.s32 $0xC3800;
	s16 =	simm.s32 $0x0  }
.Ltmp0:
0x6: {  	s11 =	simm.s32 $0x0;
	s13 =	simm.s32 $0x0;
	(pc) =	sbr.rel .LBB1_1-.Ltmp0, $4  }
0x7: {  	s14 =	simm.s32 $0x0;
	s3 =	sadd.s32 $0x2A00, s3;
	s4 =	sshll.u32 s1, $0x7  }
0x8: {  	s5 =	sshll.u32 s5, $0x7;
	[sflag:s6] =	ssyncpa.u1 $0x0;
	s7 =	ssub.s32 $0x18680, s4  }
0x9: {  	s5 =	sand.u32 $0x80, s5;
	[sflag:s8] =	ssyncpa.u1 $0x0;
	s7 =	sshrl.u32 s7, $0xB  }
0xa: {  	s12 =	smov.u32 s4;
	s8 =	sshll.u32 s5, $0x3;
	s9 =	sadd.s32 $0x2, s7  }
.LBB1_7:
0xb: {  	s19 =	sshrl.u32 s11, $0x3  }
0xc: {  	s20 =	sshll.u32 s13, $0x3;
	s19 =	smul.u32 $0xC3800, s19  }
0xd: {  	s20 =	sand.u32 $0xFFFFFC00, s20  }
0xe: {  	s19 =	sadd.s32 s20, s19  }
0xf: {  	s21 =	smulhi.u32 $0xA79C7B17, s19  }
0x10: {  	s26 =	sand.u32 $0x7F, s13  }
0x11: {  	p0 =	sgt.s32 s13, $0x18680;
	s22 =	smov.u32 s13;
	s21 =	sshrl.u32 s21, $0x10  }
0x12: {  	s22 =	simm.s32 @!p0 $0x18680;
	s19 =	sor.u32 s26, s19;
	s23 =	smul.u32 $0xCCCD, s21  }
0x13: {  	p0 =	sgt.s32 s11, $0x20;
	s17 =	sadd.s32 s17, s22;
	s20 =	smulhi.u32 $0xA79C7B17, s19  }
0x14: {  	s28 =	sadd.s32 $0xFFFE7980, s17;
	s17 =	ssub.s32 $0x18700, s17;
	s27 =	sshrl.u32 s23, $0x17  }
0x15: {  	s20 =	sshrl.u32 s20, $0x10;
	s23 =	smov.u32 s11;
	s22 =	smul.u32 $0xA0, s27  }
0x16: {  	p1 =	sgt.s32 s28, $0x7F;
	s20 =	smul.u32 $0x18700, s20;
	s23 =	simm.s32 @!p0 $0x20  }
0x17: {  	s17 =	simm.s32 @p1 $0x0;
	s29 =	ssub.s32 $0xA0, s23;
	s21 =	ssub.s32 s21, s22  }
0x18: {  	s19 =	ssub.s32 s19, s20;
	s17 =	smul.u32 s29, s17;
	s30 =	sand.u32 $0xFFFF, s21  }
0x19: {  	s31 =	sshrl.u32 s19, $0x3;
	s19 =	sand.u32 $0x7, s19;
	s20 =	smul.u32 $0x30E0, s30  }
0x1a: {  	s18 =	sor.u32 $0x8000, s18;
	s19 =	sshll.u32 s19, $0x12;
	s21 =	sadd.s32 s2, s31  }
0x1b: {  	s19 =	sor.u32 $0x400, s19;
	s17 =	sand.u32 $0x3FFFFFE0, s17;
	s20 =	sadd.s32 s20, s21  }
0x1c: {  	[hbm4b:s20+s19] =	stream.strided.scatter [tilespmem:s18], [sflag:$0x2], s17, s10, s19, $0x20;
	[tilespmem:$0x10100] =	vst v63  }
.LBB1_8:
0x1d: {  	p0 =	slt.u32 s14, $0x2  }
0x1e: {  	p1 =	sgt.s32 @!p0 s16, $0x18680  }
0x1f: {  	s17 =	smov.u32 s16;
	s18 =	sshra.s32 @!p0 s16, $0x1F;
	p1 =	por !p1, p0  }
0x20: {  	s16 =	sand.u32 @!p0 s18, s16;
	s17 =	simm.s32 @p1 $0x18680  }
0x21: {  	s16 =	ssub.s32 @!p0 s17, s16  }
0x22: {  	p1 =	sgt.s32 @!p0 s15, $0x20;
	s17 =	sadd.s32 @!p0 $0xFFFE7980, s16  }
0x23: {  	s18 =	sadd.s32 $0x800, s12;
	p1 =	por !p1, p0;
	p2 =	sgt.s32 @!p0 s17, $0x7F  }
0x24: {  	s15 =	simm.s32 @p1 $0x20;
	s16 =	ssub.s32 @!p0 $0x18700, s16;
	p1 =	por !p2, p0  }
0x25: {  	s15 =	ssub.s32 @!p0 $0xA0, s15;
	s16 =	simm.s32 @!p1 $0x0;
	p1 =	sgt.s32 s18, $0x1869F  }
0x26: {  	s15 =	smul.u32 @!p0 s15, s16;
	s18 =	smov.u32 @p1 s4;
	p1 =	sne.s32 s14, s9  }
.Ltmp1:
0x27: {  	s20 =	sadd.s32 $0x1, s14;
	(pc) =	sbr.rel @!p1 .LBB1_9-.Ltmp1, $4  }
0x28: {  	s17 =	simm.s32 @!p0 $0x2;
	s16 =	smov.u32 s13;
	s15 =	sand.u32 @!p0 $0x3FFFFFFF, s15  }
0x29: {  	s13 =	smov.u32 s12;
	s14 =	smov.u32 s20;
	_ =	swait.ge @!p0 [sflag:s17], s15  }
0x2a: {  	s12 =	smov.u32 s18;
	s19 =	ssub.s32 @!p0 $0x0, s15;
	[sflag:s17] =	ssyncset.done @!p0 $0x0  }
0x2b: {  	s15 =	smov.u32 s11;
	s11 =	smov.u32 s5;
	[sflag:s17] =	ssyncadd.s32 @!p0 s19  }
.LBB1_1:
0x2c: {  	p0 =	sgt.u32 s14, s7  }
0x2d: {  	s17 =	sshll.u32 @!p0 s12, $0x8  }
0x2e: {  	s18 =	sshll.u32 @!p0 s12, $0x7;
	s17 =	sand.u32 @!p0 $0xFFFFF800, s17  }
0x2f: {  	s18 =	sand.u32 @!p0 $0x300, s18;
	s17 =	sor.u32 @!p0 s8, s17  }
0x30: {  	s17 =	sor.u32 @!p0 s18, s17  }
0x31: {  	s19 =	smov.u32 s12;
	p1 =	sgt.s32 @!p0 s12, $0x18620;
	s17 =	sshrl.u32 @!p0 s17, $0x8  }
0x32: {  	s20 =	sshra.s32 @!p0 s12, $0x1F;
	p1 =	por !p1, p0;
	s18 =	smulhi.u32 @!p0 $0x14F8B59, s17  }
0x33: {  	s20 =	sand.u32 @!p0 s20, s12;
	s19 =	simm.s32 @p1 $0x18620  }
0x34: {  	s21 =	sxor.u32 @!p0 $0xFFFFFFFF, s14;
	s19 =	ssub.s32 @!p0 s19, s20;
	s18 =	sshrl.u32 @!p0 s18, $0x9  }
0x35: {  	s20 =	sshll.u32 @!p0 s21, $0xE;
	s19 =	sadd.s32 @!p0 $0xFFFE79E0, s19;
	s18 =	smul.u32 @!p0 $0x186A0, s18  }
0x36: {  	s21 =	simm.s32 @!p0 $0x800;
	s20 =	sand.u32 @!p0 $0x4000, s20;
	p1 =	sgt.s32 @!p0 s19, $0x7F  }
0x37: {  	s17 =	ssub.s32 @!p0 s17, s18;
	s18 =	sshll.u32 @!p0 s19, $0x7;
	s19 =	sshll.u32 @!p0 s12, $0x4  }
0x38: {  	p1 =	por !p1, p0;
	s18 =	ssub.s32 @!p0 $0x4000, s18;
	s19 =	sand.u32 @!p0 $0x10, s19  }
0x39: {  	s17 =	sshll.u32 @!p0 s17, $0x5;
	s18 =	sand.u32 @!p0 $0x3FFFFF80, s18;
	s19 =	sadd.s32 @!p0 s3, s19  }
0x3a: {  	s18 =	simm.s32 @!p1 $0x0;
	s17 =	sadd.s32 @!p0 s17, s19;
	s19 =	simm.s32 @!p0 $0x400  }
0x3b: {  	[tilespmem:s20], [sflag:$0x1] =	stream.strided.gather @!p0 [hbm4b:s17+s19], s18, s21, s19, $0x38;
	[tilespmem:$0x10100] =	vst v63  }
0x3c: {  	p0 =	seq.s32 s14, $0x0  }
0x3d: {  	p1 =	sge.u32 @!p0 s14, s9  }
0x3e: {  	p0 =	por p0, p1  }
.Ltmp2:
0x3f: {  	_ = 	snop;
	(pc) =	sbr.rel @p0 .LBB1_8-.Ltmp2, $1  }
0x40: {  	_ =	sdelay $0x3  }
0x41: {  	s17 =	ssub.s32 $0x0, s13  }
0x42: {  	s18 =	sshra.s32 s13, $0x1F;
	p0 =	sgt.s32 s13, $0x18620;
	s19 =	smov.u32 s13  }
0x43: {  	s17 =	sand.u32 s17, s18;
	s19 =	simm.s32 @!p0 $0x18620  }
0x44: {  	s18 =	sadd.s32 s17, s19;
	s19 =	sadd.s32 $0x80, s13  }
0x45: {  	s21 =	smov.u32 s11;
	p0 =	slt.s32 s19, $0x186A0  }
0x46: {  	s18 =	sadd.s32 $0xFFFE79E0, s18;
	s19 =	simm.s32 @!p0 $0x186A0;
	p0 =	slt.s32 s11, $0x20  }
0x47: {  	s20 =	sshll.u32 s18, $0x7;
	p1 =	sgt.s32 s18, $0x7F;
	s21 =	simm.s32 @!p0 $0x20  }
0x48: {  	s30 =	ssub.s32 $0x4000, s20;
	s19 =	ssub.s32 s19, s13;
	s31 =	ssub.s32 s21, s11  }
0x49: {  	s18 =	sand.u32 $0x3FFFFF80, s30;
	p0 =	slt.s32 s19, $0x1;
	s20 =	sadd.s32 $0x80, s31  }
0x4a: {  	s18 =	simm.s32 @p1 $0x0;
	p1 =	seq.s32 @!p0 s20, $0x0  }
0x4b: {  	p1 =	por p0, p1  }
.Ltmp3:
0x4c: {  	_ = 	snop;
	(pc) =	sbr.rel @p1 .LBB1_7-.Ltmp3, $4  }
0x4d: {  	_ = 	snop  }
0x4e: {  	_ =	swait.ge [sflag:s6], s18  }
0x4f: {  	s21 =	sand.u32 $0x1, s14;
	s18 =	ssub.s32 $0x0, s18;
	[sflag:s6] =	ssyncset.done $0x0  }
0x50: {  	[sflag:s6] =	ssyncadd.s32 s18;
	s18 =	smul.u32 $0x4080, s21  }
0x51: {  	_ = 	snop  }
0x52: {  	s21 =	sshll.u32 @!p0 s21, $0xE;
	s23 =	simm.s32 $0x0;
	s22 =	sor.u32 @!p0 $0x8000, s18  }
.LBB1_4:
0x53: {  	s24 =	sshll.u32 s23, $0x7;
	s25 =	sshrl.u32 s23, $0x4  }
0x54: {  	s27 =	sand.u32 $0x7F, s23;
	s28 =	simm.s32 $0x0;
	s26 =	sand.u32 $0x380, s24  }
0x55: {  	s29 =	simm.s32 $0x0;
	s27 =	sadd.s32 s27, s22;
	s26 =	sadd.s32 s26, s21  }
.LBB1_5:
0x56: {  	s30 =	sand.u32 $0x3C00, s28  }
0x57: {  	s30 =	sadd.s32 s24, s30  }
0x58: {  	s30 =	sand.u32 $0x3C00, s30  }
0x59: {  	s31 =	sand.u32 $0x70, s29;
	s30 =	sadd.s32 s30, s26  }
0x5a: {  	s30 =	sadd.s32 s31, s30;
	s31 =	sadd.s32 s29, s25  }
0x5b: {  	s29 =	sadd.s32 $0x10, s29;
	s31 =	sand.u32 $0x78, s31  }
0x5c: {  	v0 =	vld [tilespmem:s30+$0x0];
	p0 =	slt.u32 s29, s20;
	s30 =	smul.u32 $0x204, s31  }
.Ltmp4:
0x5d: {  	_ = 	snop;
	(pc) =	sbr.rel @p0 .LBB1_5-.Ltmp4, $4  }
0x5e: {  	_ = 	snop  }
0x5f: {  	s30 =	sshrl.u32 s30, $0x2  }
0x60: {  	s30 =	sadd.s32 s30, s27  }
0x61: {  	s28 =	sadd.s32 $0x80, s28;
	[tilespmem:s30+$0x0 ss:$0x81] =	vst.msk $0xffff, v0  }
0x62: {  	s23 =	sadd.s32 $0x1, s23  }
0x63: {  	p0 =	sne.s32 s23, s19  }
.Ltmp5:
0x64: {  	_ = 	snop;
	(pc) =	sbr.rel @p0 .LBB1_4-.Ltmp5, $4  }
.Ltmp6:
0x65: {  	_ = 	snop;
	(pc) =	sbr.rel @!p0 .LBB1_7-.Ltmp6, $4  }
0x66: {  	_ = 	snop  }
0x67: {  	_ = 	snop  }
0x68: {  	_ = 	snop  }
0x69: {  	_ = 	snop  }
.LBB1_9:
0x6a: {  	_ =	sfence.sel $0x180000  }
0x6b: {  	s2 =	simm.s32 $0x1;
	[bflag:$0x0] =	sbarrier.arrive $0xFFFF  }
0x6c: {  	s31 =	simm.s32 $0x2;
	[sflag:s2] =	ssyncpa.u1 $0x1  }
0x6d: {  	[sflag:s31] =	ssyncpa.u1 $0x1  }
0x6e: {  	p0 =	sne.s32 s1, $0x0;
	_ =	strace $0x9000004A  }
0x6f: {  	s0 =	sadd.s32 @!p0 $0x100000, s0;
	[bflag:$0x2] =	sbarrier.arrive $0xFFFF  }
0x70: {  	[sflag:s0] =	ssyncadd.tile.s32 @!p0 $0x1;
	_ =	shalt  }
.Lfunc_end1:
_tile_overlayer_lowered:
.L_overlay_start_2:
0x71: {  	(tag) =	ssettag $0x2  }
0x72: {  	s0 =	rddreg [dreg:$0x0];
	s2 =	stileid.u32  }
0x73: {  	s1 =	rddreg [dreg:$0x1];
	p0 =	sne.s32 s2, $0x0  }
0x74: {  	s3 =	rddreg [dreg:$0x2];
	[bflag:$0x3] =	sbarrier.arrive $0xFFFF;
	s2 =	simm.s32 @!p0 $0x1C01  }
0x75: {  	[timem:s3], [sflag:s2] =	dma.local @!p0 [hbm:s0], s1  }
0x76: {  	s0 =	simm.s32 @!p0 $0x1  }
0x77: {  	_ =	swait.ge @!p0 [sflag:s0], s1  }
0x78: {  	s1 =	ssub.s32 @!p0 $0x0, s1;
	[sflag:s0] =	ssyncset.done @!p0 $0x0  }
0x79: {  	[sflag:s0] =	ssyncadd.s32 @!p0 s1  }
0x7a: {  	[bflag:$0x3] =	sbarrier.arrive $0xFFFF  }
0x7b: {  	_ =	shalt  }

</sc_bundles>
